<compile_context>
chip_gen: v7x
topology: tpu7x:2x2x1
jax: 0.10.2.dev20260603
libtpu: 0.0.44.dev20260713+nightly
codegen_flags: <defaults>
</compile_context>

<pallas_src>
import functools

import jax
import jax.numpy as jnp
from jax import lax
from jax.experimental import pallas as pl
from jax.experimental.pallas import tpu as pltpu
from jax.experimental.pallas import tpu_sc as plsc

L = 16
BLK = 128


@jax.jit
def _gather_gps(table_view, n):
    B = n.shape[0]
    info = plsc.get_sparse_core_info()
    num_workers = info.num_subcores
    bw = B // num_workers
    nb = bw // BLK
    mesh = plsc.VectorSubcoreMesh(
        core_axis_name="c", subcore_axis_name="s", num_cores=1)

    @functools.partial(
        pl.kernel,
        mesh=mesh,
        out_type=jax.ShapeDtypeStruct((2 * B,), jnp.float32),
        compiler_params=pltpu.CompilerParams(use_tc_tiling_on_sc=False),
        scratch_types=[
            pltpu.VMEM((bw,), jnp.int32),
            [pltpu.VMEM((BLK,), jnp.int32) for _ in range(nb)],
            [pltpu.VMEM((BLK,), jnp.int32) for _ in range(nb)],
            [pltpu.VMEM((BLK,), jnp.float32) for _ in range(nb)],
            [pltpu.VMEM((BLK,), jnp.float32) for _ in range(nb)],
            pltpu.SemaphoreType.DMA,
            pltpu.SemaphoreType.DMA,
        ],
    )
    def k(table_hbm, idx_hbm, out_hbm, idx_v, lati, loni, latd, lond, sem,
          osem):
        wid = lax.axis_index("s")
        base = wid * bw
        pltpu.sync_copy(idx_hbm.at[pl.ds(base, bw)], idx_v)
        handles = []
        for kb in range(nb):
            for c in range(BLK // L):
                nc = idx_v[pl.ds(kb * BLK + c * L, L)]
                addr = lax.shift_left(
                    lax.shift_right_logical(nc, 7), 8) + (nc & 127)
                lati[kb][pl.ds(c * L, L)] = addr
                loni[kb][pl.ds(c * L, L)] = addr + BLK
            handles.append(
                pltpu.async_copy(table_hbm.at[lati[kb]], latd[kb], sem))
            handles.append(
                pltpu.async_copy(table_hbm.at[loni[kb]], lond[kb], sem))
        out_handles = []
        for kb in range(nb):
            handles[2 * kb].wait()
            handles[2 * kb + 1].wait()
            for c in range(BLK // L):
                la = latd[kb][pl.ds(c * L, L)]
                latd[kb][pl.ds(c * L, L)] = (
                    jnp.minimum(jnp.maximum(la, -1.0), 1.0) * 90.0)
                lo = lond[kb][pl.ds(c * L, L)]
                lond[kb][pl.ds(c * L, L)] = (
                    jnp.minimum(jnp.maximum(lo, -1.0), 1.0) * 180.0)
            blk_off = (base + kb * BLK) * 2
            out_handles.append(pltpu.async_copy(
                latd[kb], out_hbm.at[pl.ds(blk_off, BLK)], osem))
            out_handles.append(pltpu.async_copy(
                lond[kb], out_hbm.at[pl.ds(blk_off + BLK, BLK)], osem))
        for h in out_handles:
            h.wait()

    return k(table_view, n)


def kernel(img, coordinates, n):
    del img
    N = coordinates.shape[0]
    B = n.shape[0]
    npad = (-N) % BLK
    tpad = jnp.pad(coordinates, ((0, npad), (0, 0)))
    nblk = (N + npad) // BLK
    tview = tpad.reshape(nblk, BLK, 2).transpose(0, 2, 1).reshape(-1)
    flat = _gather_gps(tview, n)
    return flat.reshape(B // BLK, 2, BLK).transpose(0, 2, 1).reshape(B, 2)

# --- scband reference (transcript-rebuilt; emitter-appended) ---
"""Pipeline reference for scband-random-coords-68762426409012 (READ-ONLY COPY).

The authoritative reference and input builder live on the scoring server;
editing this copy changes nothing except your own understanding.
"""

import jax, jax.numpy as jnp
import numpy as np

B = 4096
D = 768
N = 100000

def setup_inputs(seed: int = 0) -> dict:
    key = jax.random.key(seed)
    k1, k2, k3 = jax.random.split(key, 3)
    # forward input: image features (only batch dim is actually used)
    img = jax.random.normal(k1, (B, D), dtype=jnp.float32)
    # learned/buffered parameter: normalized coordinates table [N, 2] in [-1, 1]
    # (stands in for the csv-loaded lat/90, lon/180 values)
    coordinates = jax.random.uniform(k2, (N, 2), dtype=jnp.float32, minval=-1.0, maxval=1.0)
    # torch samples n = randint(0, N, (B,)) inside forward; we materialize it here
    # deterministically so the reference is reproducible/jit-friendly
    n = jax.random.randint(k3, (B,), 0, N, dtype=jnp.int32)
    return {"img": img, "coordinates": coordinates, "n": n}

def _unorm_gps(gps):
    # UnormGPS: clamp normalized coords to [-1, 1] then scale to degrees
    gps = jnp.clip(gps, -1.0, 1.0)
    scale = jnp.array([90.0, 180.0], dtype=gps.dtype)
    return gps * scale

def reference(img, coordinates, n):
    # n = randint(0, N, (img.shape[0],)) -- materialized in setup_inputs
    gathered = jnp.take(coordinates, n, axis=0)  # [B, 2] gather
    gps = _unorm_gps(gathered)
    return gps

if __name__ == "__main__":
    import jax
    _d = setup_inputs()
    print(jax.jit(kernel)(*tuple(_d.values())))

</pallas_src>

<mosaic_0001>
#map = affine_map<(d0, d1) -> (0)>
module attributes {stable_mosaic.version = 14 : i64} {
  func.func @k(%arg0: i32, %arg1: i32, %arg2: memref<200192xf32, #tpu.memory_space<hbm>>, %arg3: memref<4096xi32, #tpu.memory_space<hbm>>, %arg4: memref<8192xf32, #tpu.memory_space<hbm>>, %arg5: memref<256xi32, #tpu.memory_space<vmem>>, %arg6: memref<128xi32, #tpu.memory_space<vmem>>, %arg7: memref<128xi32, #tpu.memory_space<vmem>>, %arg8: memref<128xi32, #tpu.memory_space<vmem>>, %arg9: memref<128xi32, #tpu.memory_space<vmem>>, %arg10: memref<128xf32, #tpu.memory_space<vmem>>, %arg11: memref<128xf32, #tpu.memory_space<vmem>>, %arg12: memref<128xf32, #tpu.memory_space<vmem>>, %arg13: memref<128xf32, #tpu.memory_space<vmem>>, %arg14: memref<!tpu.dma_semaphore, #tpu.memory_space<semaphore_mem>>, %arg15: memref<!tpu.dma_semaphore, #tpu.memory_space<semaphore_mem>>) attributes {dimension_semantics = [#tpu.dimension_semantics<core_parallel>, #tpu.dimension_semantics<subcore_parallel>], iteration_bounds = array<i64: 1, 16>, scalar_prefetch = 0 : i64, scratch_operands = 11 : i64, tpu.core_type = #tpu.core_type<sc_vector_subcore>, window_params = [{transform_indices = #map}, {transform_indices = #map}, {transform_indices = #map}]} {
    %mul3A = arith.constant 256 : i32
    %mul3A_0 = arith.muli %arg1, %mul3A : i32
    "tpu.region"() ({
      %run_scoped3A = tpu.sem_alloc : memref<!tpu.dma_semaphore, #tpu.memory_space<semaphore_mem>>
      %dma_start3A_931 = tpu.memref_slice %arg3[%mul3A_0] : memref<4096xi32, #tpu.memory_space<hbm>> -> memref<256xi32, #tpu.memory_space<hbm>>
      %dma_start3A_932 = tpu.memref_slice %arg3[%mul3A_0] : memref<4096xi32, #tpu.memory_space<hbm>> -> memref<256xi32, #tpu.memory_space<hbm>>
      tpu.enqueue_dma source(%dma_start3A_932 : memref<256xi32, #tpu.memory_space<hbm>>) target(%arg5 : memref<256xi32, #tpu.memory_space<vmem>>) target_semaphore(%run_scoped3A : memref<!tpu.dma_semaphore, #tpu.memory_space<semaphore_mem>>)
      %dma_wait3A_933 = tpu.memref_slice %arg3[%mul3A_0] : memref<4096xi32, #tpu.memory_space<hbm>> -> memref<256xi32, #tpu.memory_space<hbm>>
      %dma_wait3A_934 = tpu.memref_slice %arg3[%mul3A_0] : memref<4096xi32, #tpu.memory_space<hbm>> -> memref<256xi32, #tpu.memory_space<hbm>>
      tpu.wait_dma2 semaphore(%run_scoped3A : memref<!tpu.dma_semaphore, #tpu.memory_space<semaphore_mem>>) src(%dma_wait3A_934 : memref<256xi32, #tpu.memory_space<hbm>>) dst(%arg5 : memref<256xi32, #tpu.memory_space<vmem>>)
      tpu.yield
    }) : () -> ()
    %get3A = arith.constant 0 : index
    %get3A_1 = tpu.vector_load %arg5[%get3A] {strides = array<i32>} : memref<256xi32, #tpu.memory_space<vmem>>, vector<16xi32>,
    %get3A_2 = vector.shape_cast %get3A_1 : vector<16xi32> to vector<16xi32>
    %shift_right_logical3A = arith.constant 7 : i32
    %shift_right_logical3A_3 = vector.broadcast %shift_right_logical3A : i32 to vector<16xi32>
    %shift_right_logical3A_4 = arith.shrui %get3A_2, %shift_right_logical3A_3 : vector<16xi32>
    %shift_left3A = arith.constant 8 : i32
    %shift_left3A_5 = vector.broadcast %shift_left3A : i32 to vector<16xi32>
    %shift_left3A_6 = arith.shli %shift_right_logical3A_4, %shift_left3A_5 : vector<16xi32>
    %and3A = arith.constant 127 : i32
    %and3A_7 = vector.broadcast %and3A : i32 to vector<16xi32>
    %and3A_8 = arith.andi %get3A_2, %and3A_7 : vector<16xi32>
    %add3A = arith.addi %shift_left3A_6, %and3A_8 : vector<16xi32>
    %swap3A = arith.constant 0 : index
    %swap3A_9 = tpu.vector_load %arg6[%swap3A] {strides = array<i32>} : memref<128xi32, #tpu.memory_space<vmem>>, vector<16xi32>,
    %swap3A_10 = vector.shape_cast %swap3A_9 : vector<16xi32> to vector<16xi32>
    %swap3A_11 = vector.shape_cast %add3A : vector<16xi32> to vector<16xi32>
    tpu.vector_store %arg6[%swap3A], %swap3A_11 {strides = array<i32>} : memref<128xi32, #tpu.memory_space<vmem>>, vector<16xi32>,
    %add3A_12 = arith.constant 128 : i32
    %add3A_13 = vector.broadcast %add3A_12 : i32 to vector<16xi32>
    %add3A_14 = arith.addi %add3A, %add3A_13 : vector<16xi32>
    %swap3A_15 = arith.constant 0 : index
    %swap3A_16 = tpu.vector_load %arg8[%swap3A_15] {strides = array<i32>} : memref<128xi32, #tpu.memory_space<vmem>>, vector<16xi32>,
    %swap3A_17 = vector.shape_cast %swap3A_16 : vector<16xi32> to vector<16xi32>
    %swap3A_18 = vector.shape_cast %add3A_14 : vector<16xi32> to vector<16xi32>
    tpu.vector_store %arg8[%swap3A_15], %swap3A_18 {strides = array<i32>} : memref<128xi32, #tpu.memory_space<vmem>>, vector<16xi32>,
    %get3A_19 = arith.constant 16 : index
    %get3A_20 = tpu.vector_load %arg5[%get3A_19] {strides = array<i32>} : memref<256xi32, #tpu.memory_space<vmem>>, vector<16xi32>,
    %get3A_21 = vector.shape_cast %get3A_20 : vector<16xi32> to vector<16xi32>
    %shift_right_logical3A_22 = arith.constant 7 : i32
    %shift_right_logical3A_23 = vector.broadcast %shift_right_logical3A_22 : i32 to vector<16xi32>
    %shift_right_logical3A_24 = arith.shrui %get3A_21, %shift_right_logical3A_23 : vector<16xi32>
    %shift_left3A_25 = arith.constant 8 : i32
    %shift_left3A_26 = vector.broadcast %shift_left3A_25 : i32 to vector<16xi32>
    %shift_left3A_27 = arith.shli %shift_right_logical3A_24, %shift_left3A_26 : vector<16xi32>
    %and3A_28 = arith.constant 127 : i32
    %and3A_29 = vector.broadcast %and3A_28 : i32 to vector<16xi32>
    %and3A_30 = arith.andi %get3A_21, %and3A_29 : vector<16xi32>
    %add3A_31 = arith.addi %shift_left3A_27, %and3A_30 : vector<16xi32>
    %swap3A_32 = arith.constant 16 : index
    %swap3A_33 = tpu.vector_load %arg6[%swap3A_32] {strides = array<i32>} : memref<128xi32, #tpu.memory_space<vmem>>, vector<16xi32>,
    %swap3A_34 = vector.shape_cast %swap3A_33 : vector<16xi32> to vector<16xi32>
    %swap3A_35 = vector.shape_cast %add3A_31 : vector<16xi32> to vector<16xi32>
    tpu.vector_store %arg6[%swap3A_32], %swap3A_35 {strides = array<i32>} : memref<128xi32, #tpu.memory_space<vmem>>, vector<16xi32>,
    %add3A_36 = arith.constant 128 : i32
    %add3A_37 = vector.broadcast %add3A_36 : i32 to vector<16xi32>
    %add3A_38 = arith.addi %add3A_31, %add3A_37 : vector<16xi32>
    %swap3A_39 = arith.constant 16 : index
    %swap3A_40 = tpu.vector_load %arg8[%swap3A_39] {strides = array<i32>} : memref<128xi32, #tpu.memory_space<vmem>>, vector<16xi32>,
    %swap3A_41 = vector.shape_cast %swap3A_40 : vector<16xi32> to vector<16xi32>
    %swap3A_42 = vector.shape_cast %add3A_38 : vector<16xi32> to vector<16xi32>
    tpu.vector_store %arg8[%swap3A_39], %swap3A_42 {strides = array<i32>} : memref<128xi32, #tpu.memory_space<vmem>>, vector<16xi32>,
    %get3A_43 = arith.constant 32 : index
    %get3A_44 = tpu.vector_load %arg5[%get3A_43] {strides = array<i32>} : memref<256xi32, #tpu.memory_space<vmem>>, vector<16xi32>,
    %get3A_45 = vector.shape_cast %get3A_44 : vector<16xi32> to vector<16xi32>
    %shift_right_logical3A_46 = arith.constant 7 : i32
    %shift_right_logical3A_47 = vector.broadcast %shift_right_logical3A_46 : i32 to vector<16xi32>
    %shift_right_logical3A_48 = arith.shrui %get3A_45, %shift_right_logical3A_47 : vector<16xi32>
    %shift_left3A_49 = arith.constant 8 : i32
    %shift_left3A_50 = vector.broadcast %shift_left3A_49 : i32 to vector<16xi32>
    %shift_left3A_51 = arith.shli %shift_right_logical3A_48, %shift_left3A_50 : vector<16xi32>
    %and3A_52 = arith.constant 127 : i32
    %and3A_53 = vector.broadcast %and3A_52 : i32 to vector<16xi32>
    %and3A_54 = arith.andi %get3A_45, %and3A_53 : vector<16xi32>
    %add3A_55 = arith.addi %shift_left3A_51, %and3A_54 : vector<16xi32>
    %swap3A_56 = arith.constant 32 : index
    %swap3A_57 = tpu.vector_load %arg6[%swap3A_56] {strides = array<i32>} : memref<128xi32, #tpu.memory_space<vmem>>, vector<16xi32>,
    %swap3A_58 = vector.shape_cast %swap3A_57 : vector<16xi32> to vector<16xi32>
    %swap3A_59 = vector.shape_cast %add3A_55 : vector<16xi32> to vector<16xi32>
    tpu.vector_store %arg6[%swap3A_56], %swap3A_59 {strides = array<i32>} : memref<128xi32, #tpu.memory_space<vmem>>, vector<16xi32>,
    %add3A_60 = arith.constant 128 : i32
    %add3A_61 = vector.broadcast %add3A_60 : i32 to vector<16xi32>
    %add3A_62 = arith.addi %add3A_55, %add3A_61 : vector<16xi32>
    %swap3A_63 = arith.constant 32 : index
    %swap3A_64 = tpu.vector_load %arg8[%swap3A_63] {strides = array<i32>} : memref<128xi32, #tpu.memory_space<vmem>>, vector<16xi32>,
    %swap3A_65 = vector.shape_cast %swap3A_64 : vector<16xi32> to vector<16xi32>
    %swap3A_66 = vector.shape_cast %add3A_62 : vector<16xi32> to vector<16xi32>
    tpu.vector_store %arg8[%swap3A_63], %swap3A_66 {strides = array<i32>} : memref<128xi32, #tpu.memory_space<vmem>>, vector<16xi32>,
    %get3A_67 = arith.constant 48 : index
    %get3A_68 = tpu.vector_load %arg5[%get3A_67] {strides = array<i32>} : memref<256xi32, #tpu.memory_space<vmem>>, vector<16xi32>,
    %get3A_69 = vector.shape_cast %get3A_68 : vector<16xi32> to vector<16xi32>
    %shift_right_logical3A_70 = arith.constant 7 : i32
    %shift_right_logical3A_71 = vector.broadcast %shift_right_logical3A_70 : i32 to vector<16xi32>
    %shift_right_logical3A_72 = arith.shrui %get3A_69, %shift_right_logical3A_71 : vector<16xi32>
    %shift_left3A_73 = arith.constant 8 : i32
    %shift_left3A_74 = vector.broadcast %shift_left3A_73 : i32 to vector<16xi32>
    %shift_left3A_75 = arith.shli %shift_right_logical3A_72, %shift_left3A_74 : vector<16xi32>
    %and3A_76 = arith.constant 127 : i32
    %and3A_77 = vector.broadcast %and3A_76 : i32 to vector<16xi32>
    %and3A_78 = arith.andi %get3A_69, %and3A_77 : vector<16xi32>
    %add3A_79 = arith.addi %shift_left3A_75, %and3A_78 : vector<16xi32>
    %swap3A_80 = arith.constant 48 : index
    %swap3A_81 = tpu.vector_load %arg6[%swap3A_80] {strides = array<i32>} : memref<128xi32, #tpu.memory_space<vmem>>, vector<16xi32>,
    %swap3A_82 = vector.shape_cast %swap3A_81 : vector<16xi32> to vector<16xi32>
    %swap3A_83 = vector.shape_cast %add3A_79 : vector<16xi32> to vector<16xi32>
    tpu.vector_store %arg6[%swap3A_80], %swap3A_83 {strides = array<i32>} : memref<128xi32, #tpu.memory_space<vmem>>, vector<16xi32>,
    %add3A_84 = arith.constant 128 : i32
    %add3A_85 = vector.broadcast %add3A_84 : i32 to vector<16xi32>
    %add3A_86 = arith.addi %add3A_79, %add3A_85 : vector<16xi32>
    %swap3A_87 = arith.constant 48 : index
    %swap3A_88 = tpu.vector_load %arg8[%swap3A_87] {strides = array<i32>} : memref<128xi32, #tpu.memory_space<vmem>>, vector<16xi32>,
    %swap3A_89 = vector.shape_cast %swap3A_88 : vector<16xi32> to vector<16xi32>
    %swap3A_90 = vector.shape_cast %add3A_86 : vector<16xi32> to vector<16xi32>
    tpu.vector_store %arg8[%swap3A_87], %swap3A_90 {strides = array<i32>} : memref<128xi32, #tpu.memory_space<vmem>>, vector<16xi32>,
    %get3A_91 = arith.constant 64 : index
    %get3A_92 = tpu.vector_load %arg5[%get3A_91] {strides = array<i32>} : memref<256xi32, #tpu.memory_space<vmem>>, vector<16xi32>,
    %get3A_93 = vector.shape_cast %get3A_92 : vector<16xi32> to vector<16xi32>
    %shift_right_logical3A_94 = arith.constant 7 : i32
    %shift_right_logical3A_95 = vector.broadcast %shift_right_logical3A_94 : i32 to vector<16xi32>
    %shift_right_logical3A_96 = arith.shrui %get3A_93, %shift_right_logical3A_95 : vector<16xi32>
    %shift_left3A_97 = arith.constant 8 : i32
    %shift_left3A_98 = vector.broadcast %shift_left3A_97 : i32 to vector<16xi32>
    %shift_left3A_99 = arith.shli %shift_right_logical3A_96, %shift_left3A_98 : vector<16xi32>
    %and3A_100 = arith.constant 127 : i32
    %and3A_101 = vector.broadcast %and3A_100 : i32 to vector<16xi32>
    %and3A_102 = arith.andi %get3A_93, %and3A_101 : vector<16xi32>
    %add3A_103 = arith.addi %shift_left3A_99, %and3A_102 : vector<16xi32>
    %swap3A_104 = arith.constant 64 : index
    %swap3A_105 = tpu.vector_load %arg6[%swap3A_104] {strides = array<i32>} : memref<128xi32, #tpu.memory_space<vmem>>, vector<16xi32>,
    %swap3A_106 = vector.shape_cast %swap3A_105 : vector<16xi32> to vector<16xi32>
    %swap3A_107 = vector.shape_cast %add3A_103 : vector<16xi32> to vector<16xi32>
    tpu.vector_store %arg6[%swap3A_104], %swap3A_107 {strides = array<i32>} : memref<128xi32, #tpu.memory_space<vmem>>, vector<16xi32>,
    %add3A_108 = arith.constant 128 : i32
    %add3A_109 = vector.broadcast %add3A_108 : i32 to vector<16xi32>
    %add3A_110 = arith.addi %add3A_103, %add3A_109 : vector<16xi32>
    %swap3A_111 = arith.constant 64 : index
    %swap3A_112 = tpu.vector_load %arg8[%swap3A_111] {strides = array<i32>} : memref<128xi32, #tpu.memory_space<vmem>>, vector<16xi32>,
    %swap3A_113 = vector.shape_cast %swap3A_112 : vector<16xi32> to vector<16xi32>
    %swap3A_114 = vector.shape_cast %add3A_110 : vector<16xi32> to vector<16xi32>
    tpu.vector_store %arg8[%swap3A_111], %swap3A_114 {strides = array<i32>} : memref<128xi32, #tpu.memory_space<vmem>>, vector<16xi32>,
    %get3A_115 = arith.constant 80 : index
    %get3A_116 = tpu.vector_load %arg5[%get3A_115] {strides = array<i32>} : memref<256xi32, #tpu.memory_space<vmem>>, vector<16xi32>,
    %get3A_117 = vector.shape_cast %get3A_116 : vector<16xi32> to vector<16xi32>
    %shift_right_logical3A_118 = arith.constant 7 : i32
    %shift_right_logical3A_119 = vector.broadcast %shift_right_logical3A_118 : i32 to vector<16xi32>
    %shift_right_logical3A_120 = arith.shrui %get3A_117, %shift_right_logical3A_119 : vector<16xi32>
    %shift_left3A_121 = arith.constant 8 : i32
    %shift_left3A_122 = vector.broadcast %shift_left3A_121 : i32 to vector<16xi32>
    %shift_left3A_123 = arith.shli %shift_right_logical3A_120, %shift_left3A_122 : vector<16xi32>
    %and3A_124 = arith.constant 127 : i32
    %and3A_125 = vector.broadcast %and3A_124 : i32 to vector<16xi32>
    %and3A_126 = arith.andi %get3A_117, %and3A_125 : vector<16xi32>
    %add3A_127 = arith.addi %shift_left3A_123, %and3A_126 : vector<16xi32>
    %swap3A_128 = arith.constant 80 : index
    %swap3A_129 = tpu.vector_load %arg6[%swap3A_128] {strides = array<i32>} : memref<128xi32, #tpu.memory_space<vmem>>, vector<16xi32>,
    %swap3A_130 = vector.shape_cast %swap3A_129 : vector<16xi32> to vector<16xi32>
    %swap3A_131 = vector.shape_cast %add3A_127 : vector<16xi32> to vector<16xi32>
    tpu.vector_store %arg6[%swap3A_128], %swap3A_131 {strides = array<i32>} : memref<128xi32, #tpu.memory_space<vmem>>, vector<16xi32>,
    %add3A_132 = arith.constant 128 : i32
    %add3A_133 = vector.broadcast %add3A_132 : i32 to vector<16xi32>
    %add3A_134 = arith.addi %add3A_127, %add3A_133 : vector<16xi32>
    %swap3A_135 = arith.constant 80 : index
    %swap3A_136 = tpu.vector_load %arg8[%swap3A_135] {strides = array<i32>} : memref<128xi32, #tpu.memory_space<vmem>>, vector<16xi32>,
    %swap3A_137 = vector.shape_cast %swap3A_136 : vector<16xi32> to vector<16xi32>
    %swap3A_138 = vector.shape_cast %add3A_134 : vector<16xi32> to vector<16xi32>
    tpu.vector_store %arg8[%swap3A_135], %swap3A_138 {strides = array<i32>} : memref<128xi32, #tpu.memory_space<vmem>>, vector<16xi32>,
    %get3A_139 = arith.constant 96 : index
    %get3A_140 = tpu.vector_load %arg5[%get3A_139] {strides = array<i32>} : memref<256xi32, #tpu.memory_space<vmem>>, vector<16xi32>,
    %get3A_141 = vector.shape_cast %get3A_140 : vector<16xi32> to vector<16xi32>
    %shift_right_logical3A_142 = arith.constant 7 : i32
    %shift_right_logical3A_143 = vector.broadcast %shift_right_logical3A_142 : i32 to vector<16xi32>
    %shift_right_logical3A_144 = arith.shrui %get3A_141, %shift_right_logical3A_143 : vector<16xi32>
    %shift_left3A_145 = arith.constant 8 : i32
    %shift_left3A_146 = vector.broadcast %shift_left3A_145 : i32 to vector<16xi32>
    %shift_left3A_147 = arith.shli %shift_right_logical3A_144, %shift_left3A_146 : vector<16xi32>
    %and3A_148 = arith.constant 127 : i32
    %and3A_149 = vector.broadcast %and3A_148 : i32 to vector<16xi32>
    %and3A_150 = arith.andi %get3A_141, %and3A_149 : vector<16xi32>
    %add3A_151 = arith.addi %shift_left3A_147, %and3A_150 : vector<16xi32>
    %swap3A_152 = arith.constant 96 : index
    %swap3A_153 = tpu.vector_load %arg6[%swap3A_152] {strides = array<i32>} : memref<128xi32, #tpu.memory_space<vmem>>, vector<16xi32>,
    %swap3A_154 = vector.shape_cast %swap3A_153 : vector<16xi32> to vector<16xi32>
    %swap3A_155 = vector.shape_cast %add3A_151 : vector<16xi32> to vector<16xi32>
    tpu.vector_store %arg6[%swap3A_152], %swap3A_155 {strides = array<i32>} : memref<128xi32, #tpu.memory_space<vmem>>, vector<16xi32>,
    %add3A_156 = arith.constant 128 : i32
    %add3A_157 = vector.broadcast %add3A_156 : i32 to vector<16xi32>
    %add3A_158 = arith.addi %add3A_151, %add3A_157 : vector<16xi32>
    %swap3A_159 = arith.constant 96 : index
    %swap3A_160 = tpu.vector_load %arg8[%swap3A_159] {strides = array<i32>} : memref<128xi32, #tpu.memory_space<vmem>>, vector<16xi32>,
    %swap3A_161 = vector.shape_cast %swap3A_160 : vector<16xi32> to vector<16xi32>
    %swap3A_162 = vector.shape_cast %add3A_158 : vector<16xi32> to vector<16xi32>
    tpu.vector_store %arg8[%swap3A_159], %swap3A_162 {strides = array<i32>} : memref<128xi32, #tpu.memory_space<vmem>>, vector<16xi32>,
    %get3A_163 = arith.constant 112 : index
    %get3A_164 = tpu.vector_load %arg5[%get3A_163] {strides = array<i32>} : memref<256xi32, #tpu.memory_space<vmem>>, vector<16xi32>,
    %get3A_165 = vector.shape_cast %get3A_164 : vector<16xi32> to vector<16xi32>
    %shift_right_logical3A_166 = arith.constant 7 : i32
    %shift_right_logical3A_167 = vector.broadcast %shift_right_logical3A_166 : i32 to vector<16xi32>
    %shift_right_logical3A_168 = arith.shrui %get3A_165, %shift_right_logical3A_167 : vector<16xi32>
    %shift_left3A_169 = arith.constant 8 : i32
    %shift_left3A_170 = vector.broadcast %shift_left3A_169 : i32 to vector<16xi32>
    %shift_left3A_171 = arith.shli %shift_right_logical3A_168, %shift_left3A_170 : vector<16xi32>
    %and3A_172 = arith.constant 127 : i32
    %and3A_173 = vector.broadcast %and3A_172 : i32 to vector<16xi32>
    %and3A_174 = arith.andi %get3A_165, %and3A_173 : vector<16xi32>
    %add3A_175 = arith.addi %shift_left3A_171, %and3A_174 : vector<16xi32>
    %swap3A_176 = arith.constant 112 : index
    %swap3A_177 = tpu.vector_load %arg6[%swap3A_176] {strides = array<i32>} : memref<128xi32, #tpu.memory_space<vmem>>, vector<16xi32>,
    %swap3A_178 = vector.shape_cast %swap3A_177 : vector<16xi32> to vector<16xi32>
    %swap3A_179 = vector.shape_cast %add3A_175 : vector<16xi32> to vector<16xi32>
    tpu.vector_store %arg6[%swap3A_176], %swap3A_179 {strides = array<i32>} : memref<128xi32, #tpu.memory_space<vmem>>, vector<16xi32>,
    %add3A_180 = arith.constant 128 : i32
    %add3A_181 = vector.broadcast %add3A_180 : i32 to vector<16xi32>
    %add3A_182 = arith.addi %add3A_175, %add3A_181 : vector<16xi32>
    %swap3A_183 = arith.constant 112 : index
    %swap3A_184 = tpu.vector_load %arg8[%swap3A_183] {strides = array<i32>} : memref<128xi32, #tpu.memory_space<vmem>>, vector<16xi32>,
    %swap3A_185 = vector.shape_cast %swap3A_184 : vector<16xi32> to vector<16xi32>
    %swap3A_186 = vector.shape_cast %add3A_182 : vector<16xi32> to vector<16xi32>
    tpu.vector_store %arg8[%swap3A_183], %swap3A_186 {strides = array<i32>} : memref<128xi32, #tpu.memory_space<vmem>>, vector<16xi32>,
    %dma_start3A = arith.constant 0 : i32
    %dma_start3A_187 = tpu.memref_slice %arg2[%dma_start3A] : memref<200192xf32, #tpu.memory_space<hbm>> -> memref<200192xf32, #tpu.memory_space<hbm>>
    tpu.enqueue_indirect_dma source(%dma_start3A_187 : memref<200192xf32, #tpu.memory_space<hbm>>) target(%arg10 : memref<128xf32, #tpu.memory_space<vmem>>) offsets(%arg6 : memref<128xi32, #tpu.memory_space<vmem>>) semaphore(%arg14 : memref<!tpu.dma_semaphore, #tpu.memory_space<semaphore_mem>>)
    %dma_start3A_188 = arith.constant 0 : i32
    %dma_start3A_189 = tpu.memref_slice %arg2[%dma_start3A_188] : memref<200192xf32, #tpu.memory_space<hbm>> -> memref<200192xf32, #tpu.memory_space<hbm>>
    tpu.enqueue_indirect_dma source(%dma_start3A_189 : memref<200192xf32, #tpu.memory_space<hbm>>) target(%arg12 : memref<128xf32, #tpu.memory_space<vmem>>) offsets(%arg8 : memref<128xi32, #tpu.memory_space<vmem>>) semaphore(%arg14 : memref<!tpu.dma_semaphore, #tpu.memory_space<semaphore_mem>>)
    %get3A_190 = arith.constant 128 : index
    %get3A_191 = tpu.vector_load %arg5[%get3A_190] {strides = array<i32>} : memref<256xi32, #tpu.memory_space<vmem>>, vector<16xi32>,
    %get3A_192 = vector.shape_cast %get3A_191 : vector<16xi32> to vector<16xi32>
    %shift_right_logical3A_193 = arith.constant 7 : i32
    %shift_right_logical3A_194 = vector.broadcast %shift_right_logical3A_193 : i32 to vector<16xi32>
    %shift_right_logical3A_195 = arith.shrui %get3A_192, %shift_right_logical3A_194 : vector<16xi32>
    %shift_left3A_196 = arith.constant 8 : i32
    %shift_left3A_197 = vector.broadcast %shift_left3A_196 : i32 to vector<16xi32>
    %shift_left3A_198 = arith.shli %shift_right_logical3A_195, %shift_left3A_197 : vector<16xi32>
    %and3A_199 = arith.constant 127 : i32
    %and3A_200 = vector.broadcast %and3A_199 : i32 to vector<16xi32>
    %and3A_201 = arith.andi %get3A_192, %and3A_200 : vector<16xi32>
    %add3A_202 = arith.addi %shift_left3A_198, %and3A_201 : vector<16xi32>
    %swap3A_203 = arith.constant 0 : index
    %swap3A_204 = tpu.vector_load %arg7[%swap3A_203] {strides = array<i32>} : memref<128xi32, #tpu.memory_space<vmem>>, vector<16xi32>,
    %swap3A_205 = vector.shape_cast %swap3A_204 : vector<16xi32> to vector<16xi32>
    %swap3A_206 = vector.shape_cast %add3A_202 : vector<16xi32> to vector<16xi32>
    tpu.vector_store %arg7[%swap3A_203], %swap3A_206 {strides = array<i32>} : memref<128xi32, #tpu.memory_space<vmem>>, vector<16xi32>,
    %add3A_207 = arith.constant 128 : i32
    %add3A_208 = vector.broadcast %add3A_207 : i32 to vector<16xi32>
    %add3A_209 = arith.addi %add3A_202, %add3A_208 : vector<16xi32>
    %swap3A_210 = arith.constant 0 : index
    %swap3A_211 = tpu.vector_load %arg9[%swap3A_210] {strides = array<i32>} : memref<128xi32, #tpu.memory_space<vmem>>, vector<16xi32>,
    %swap3A_212 = vector.shape_cast %swap3A_211 : vector<16xi32> to vector<16xi32>
    %swap3A_213 = vector.shape_cast %add3A_209 : vector<16xi32> to vector<16xi32>
    tpu.vector_store %arg9[%swap3A_210], %swap3A_213 {strides = array<i32>} : memref<128xi32, #tpu.memory_space<vmem>>, vector<16xi32>,
    %get3A_214 = arith.constant 144 : index
    %get3A_215 = tpu.vector_load %arg5[%get3A_214] {strides = array<i32>} : memref<256xi32, #tpu.memory_space<vmem>>, vector<16xi32>,
    %get3A_216 = vector.shape_cast %get3A_215 : vector<16xi32> to vector<16xi32>
    %shift_right_logical3A_217 = arith.constant 7 : i32
    %shift_right_logical3A_218 = vector.broadcast %shift_right_logical3A_217 : i32 to vector<16xi32>
    %shift_right_logical3A_219 = arith.shrui %get3A_216, %shift_right_logical3A_218 : vector<16xi32>
    %shift_left3A_220 = arith.constant 8 : i32
    %shift_left3A_221 = vector.broadcast %shift_left3A_220 : i32 to vector<16xi32>
    %shift_left3A_222 = arith.shli %shift_right_logical3A_219, %shift_left3A_221 : vector<16xi32>
    %and3A_223 = arith.constant 127 : i32
    %and3A_224 = vector.broadcast %and3A_223 : i32 to vector<16xi32>
    %and3A_225 = arith.andi %get3A_216, %and3A_224 : vector<16xi32>
    %add3A_226 = arith.addi %shift_left3A_222, %and3A_225 : vector<16xi32>
    %swap3A_227 = arith.constant 16 : index
    %swap3A_228 = tpu.vector_load %arg7[%swap3A_227] {strides = array<i32>} : memref<128xi32, #tpu.memory_space<vmem>>, vector<16xi32>,
    %swap3A_229 = vector.shape_cast %swap3A_228 : vector<16xi32> to vector<16xi32>
    %swap3A_230 = vector.shape_cast %add3A_226 : vector<16xi32> to vector<16xi32>
    tpu.vector_store %arg7[%swap3A_227], %swap3A_230 {strides = array<i32>} : memref<128xi32, #tpu.memory_space<vmem>>, vector<16xi32>,
    %add3A_231 = arith.constant 128 : i32
    %add3A_232 = vector.broadcast %add3A_231 : i32 to vector<16xi32>
    %add3A_233 = arith.addi %add3A_226, %add3A_232 : vector<16xi32>
    %swap3A_234 = arith.constant 16 : index
    %swap3A_235 = tpu.vector_load %arg9[%swap3A_234] {strides = array<i32>} : memref<128xi32, #tpu.memory_space<vmem>>, vector<16xi32>,
    %swap3A_236 = vector.shape_cast %swap3A_235 : vector<16xi32> to vector<16xi32>
    %swap3A_237 = vector.shape_cast %add3A_233 : vector<16xi32> to vector<16xi32>
    tpu.vector_store %arg9[%swap3A_234], %swap3A_237 {strides = array<i32>} : memref<128xi32, #tpu.memory_space<vmem>>, vector<16xi32>,
    %get3A_238 = arith.constant 160 : index
    %get3A_239 = tpu.vector_load %arg5[%get3A_238] {strides = array<i32>} : memref<256xi32, #tpu.memory_space<vmem>>, vector<16xi32>,
    %get3A_240 = vector.shape_cast %get3A_239 : vector<16xi32> to vector<16xi32>
    %shift_right_logical3A_241 = arith.constant 7 : i32
    %shift_right_logical3A_242 = vector.broadcast %shift_right_logical3A_241 : i32 to vector<16xi32>
    %shift_right_logical3A_243 = arith.shrui %get3A_240, %shift_right_logical3A_242 : vector<16xi32>
    %shift_left3A_244 = arith.constant 8 : i32
    %shift_left3A_245 = vector.broadcast %shift_left3A_244 : i32 to vector<16xi32>
    %shift_left3A_246 = arith.shli %shift_right_logical3A_243, %shift_left3A_245 : vector<16xi32>
    %and3A_247 = arith.constant 127 : i32
    %and3A_248 = vector.broadcast %and3A_247 : i32 to vector<16xi32>
    %and3A_249 = arith.andi %get3A_240, %and3A_248 : vector<16xi32>
    %add3A_250 = arith.addi %shift_left3A_246, %and3A_249 : vector<16xi32>
    %swap3A_251 = arith.constant 32 : index
    %swap3A_252 = tpu.vector_load %arg7[%swap3A_251] {strides = array<i32>} : memref<128xi32, #tpu.memory_space<vmem>>, vector<16xi32>,
    %swap3A_253 = vector.shape_cast %swap3A_252 : vector<16xi32> to vector<16xi32>
    %swap3A_254 = vector.shape_cast %add3A_250 : vector<16xi32> to vector<16xi32>
    tpu.vector_store %arg7[%swap3A_251], %swap3A_254 {strides = array<i32>} : memref<128xi32, #tpu.memory_space<vmem>>, vector<16xi32>,
    %add3A_255 = arith.constant 128 : i32
    %add3A_256 = vector.broadcast %add3A_255 : i32 to vector<16xi32>
    %add3A_257 = arith.addi %add3A_250, %add3A_256 : vector<16xi32>
    %swap3A_258 = arith.constant 32 : index
    %swap3A_259 = tpu.vector_load %arg9[%swap3A_258] {strides = array<i32>} : memref<128xi32, #tpu.memory_space<vmem>>, vector<16xi32>,
    %swap3A_260 = vector.shape_cast %swap3A_259 : vector<16xi32> to vector<16xi32>
    %swap3A_261 = vector.shape_cast %add3A_257 : vector<16xi32> to vector<16xi32>
    tpu.vector_store %arg9[%swap3A_258], %swap3A_261 {strides = array<i32>} : memref<128xi32, #tpu.memory_space<vmem>>, vector<16xi32>,
    %get3A_262 = arith.constant 176 : index
    %get3A_263 = tpu.vector_load %arg5[%get3A_262] {strides = array<i32>} : memref<256xi32, #tpu.memory_space<vmem>>, vector<16xi32>,
    %get3A_264 = vector.shape_cast %get3A_263 : vector<16xi32> to vector<16xi32>
    %shift_right_logical3A_265 = arith.constant 7 : i32
    %shift_right_logical3A_266 = vector.broadcast %shift_right_logical3A_265 : i32 to vector<16xi32>
    %shift_right_logical3A_267 = arith.shrui %get3A_264, %shift_right_logical3A_266 : vector<16xi32>
    %shift_left3A_268 = arith.constant 8 : i32
    %shift_left3A_269 = vector.broadcast %shift_left3A_268 : i32 to vector<16xi32>
    %shift_left3A_270 = arith.shli %shift_right_logical3A_267, %shift_left3A_269 : vector<16xi32>
    %and3A_271 = arith.constant 127 : i32
    %and3A_272 = vector.broadcast %and3A_271 : i32 to vector<16xi32>
    %and3A_273 = arith.andi %get3A_264, %and3A_272 : vector<16xi32>
    %add3A_274 = arith.addi %shift_left3A_270, %and3A_273 : vector<16xi32>
    %swap3A_275 = arith.constant 48 : index
    %swap3A_276 = tpu.vector_load %arg7[%swap3A_275] {strides = array<i32>} : memref<128xi32, #tpu.memory_space<vmem>>, vector<16xi32>,
    %swap3A_277 = vector.shape_cast %swap3A_276 : vector<16xi32> to vector<16xi32>
    %swap3A_278 = vector.shape_cast %add3A_274 : vector<16xi32> to vector<16xi32>
    tpu.vector_store %arg7[%swap3A_275], %swap3A_278 {strides = array<i32>} : memref<128xi32, #tpu.memory_space<vmem>>, vector<16xi32>,
    %add3A_279 = arith.constant 128 : i32
    %add3A_280 = vector.broadcast %add3A_279 : i32 to vector<16xi32>
    %add3A_281 = arith.addi %add3A_274, %add3A_280 : vector<16xi32>
    %swap3A_282 = arith.constant 48 : index
    %swap3A_283 = tpu.vector_load %arg9[%swap3A_282] {strides = array<i32>} : memref<128xi32, #tpu.memory_space<vmem>>, vector<16xi32>,
    %swap3A_284 = vector.shape_cast %swap3A_283 : vector<16xi32> to vector<16xi32>
    %swap3A_285 = vector.shape_cast %add3A_281 : vector<16xi32> to vector<16xi32>
    tpu.vector_store %arg9[%swap3A_282], %swap3A_285 {strides = array<i32>} : memref<128xi32, #tpu.memory_space<vmem>>, vector<16xi32>,
    %get3A_286 = arith.constant 192 : index
    %get3A_287 = tpu.vector_load %arg5[%get3A_286] {strides = array<i32>} : memref<256xi32, #tpu.memory_space<vmem>>, vector<16xi32>,
    %get3A_288 = vector.shape_cast %get3A_287 : vector<16xi32> to vector<16xi32>
    %shift_right_logical3A_289 = arith.constant 7 : i32
    %shift_right_logical3A_290 = vector.broadcast %shift_right_logical3A_289 : i32 to vector<16xi32>
    %shift_right_logical3A_291 = arith.shrui %get3A_288, %shift_right_logical3A_290 : vector<16xi32>
    %shift_left3A_292 = arith.constant 8 : i32
    %shift_left3A_293 = vector.broadcast %shift_left3A_292 : i32 to vector<16xi32>
    %shift_left3A_294 = arith.shli %shift_right_logical3A_291, %shift_left3A_293 : vector<16xi32>
    %and3A_295 = arith.constant 127 : i32
    %and3A_296 = vector.broadcast %and3A_295 : i32 to vector<16xi32>
    %and3A_297 = arith.andi %get3A_288, %and3A_296 : vector<16xi32>
    %add3A_298 = arith.addi %shift_left3A_294, %and3A_297 : vector<16xi32>
    %swap3A_299 = arith.constant 64 : index
    %swap3A_300 = tpu.vector_load %arg7[%swap3A_299] {strides = array<i32>} : memref<128xi32, #tpu.memory_space<vmem>>, vector<16xi32>,
    %swap3A_301 = vector.shape_cast %swap3A_300 : vector<16xi32> to vector<16xi32>
    %swap3A_302 = vector.shape_cast %add3A_298 : vector<16xi32> to vector<16xi32>
    tpu.vector_store %arg7[%swap3A_299], %swap3A_302 {strides = array<i32>} : memref<128xi32, #tpu.memory_space<vmem>>, vector<16xi32>,
    %add3A_303 = arith.constant 128 : i32
    %add3A_304 = vector.broadcast %add3A_303 : i32 to vector<16xi32>
    %add3A_305 = arith.addi %add3A_298, %add3A_304 : vector<16xi32>
    %swap3A_306 = arith.constant 64 : index
    %swap3A_307 = tpu.vector_load %arg9[%swap3A_306] {strides = array<i32>} : memref<128xi32, #tpu.memory_space<vmem>>, vector<16xi32>,
    %swap3A_308 = vector.shape_cast %swap3A_307 : vector<16xi32> to vector<16xi32>
    %swap3A_309 = vector.shape_cast %add3A_305 : vector<16xi32> to vector<16xi32>
    tpu.vector_store %arg9[%swap3A_306], %swap3A_309 {strides = array<i32>} : memref<128xi32, #tpu.memory_space<vmem>>, vector<16xi32>,
    %get3A_310 = arith.constant 208 : index
    %get3A_311 = tpu.vector_load %arg5[%get3A_310] {strides = array<i32>} : memref<256xi32, #tpu.memory_space<vmem>>, vector<16xi32>,
    %get3A_312 = vector.shape_cast %get3A_311 : vector<16xi32> to vector<16xi32>
    %shift_right_logical3A_313 = arith.constant 7 : i32
    %shift_right_logical3A_314 = vector.broadcast %shift_right_logical3A_313 : i32 to vector<16xi32>
    %shift_right_logical3A_315 = arith.shrui %get3A_312, %shift_right_logical3A_314 : vector<16xi32>
    %shift_left3A_316 = arith.constant 8 : i32
    %shift_left3A_317 = vector.broadcast %shift_left3A_316 : i32 to vector<16xi32>
    %shift_left3A_318 = arith.shli %shift_right_logical3A_315, %shift_left3A_317 : vector<16xi32>
    %and3A_319 = arith.constant 127 : i32
    %and3A_320 = vector.broadcast %and3A_319 : i32 to vector<16xi32>
    %and3A_321 = arith.andi %get3A_312, %and3A_320 : vector<16xi32>
    %add3A_322 = arith.addi %shift_left3A_318, %and3A_321 : vector<16xi32>
    %swap3A_323 = arith.constant 80 : index
    %swap3A_324 = tpu.vector_load %arg7[%swap3A_323] {strides = array<i32>} : memref<128xi32, #tpu.memory_space<vmem>>, vector<16xi32>,
    %swap3A_325 = vector.shape_cast %swap3A_324 : vector<16xi32> to vector<16xi32>
    %swap3A_326 = vector.shape_cast %add3A_322 : vector<16xi32> to vector<16xi32>
    tpu.vector_store %arg7[%swap3A_323], %swap3A_326 {strides = array<i32>} : memref<128xi32, #tpu.memory_space<vmem>>, vector<16xi32>,
    %add3A_327 = arith.constant 128 : i32
    %add3A_328 = vector.broadcast %add3A_327 : i32 to vector<16xi32>
    %add3A_329 = arith.addi %add3A_322, %add3A_328 : vector<16xi32>
    %swap3A_330 = arith.constant 80 : index
    %swap3A_331 = tpu.vector_load %arg9[%swap3A_330] {strides = array<i32>} : memref<128xi32, #tpu.memory_space<vmem>>, vector<16xi32>,
    %swap3A_332 = vector.shape_cast %swap3A_331 : vector<16xi32> to vector<16xi32>
    %swap3A_333 = vector.shape_cast %add3A_329 : vector<16xi32> to vector<16xi32>
    tpu.vector_store %arg9[%swap3A_330], %swap3A_333 {strides = array<i32>} : memref<128xi32, #tpu.memory_space<vmem>>, vector<16xi32>,
    %get3A_334 = arith.constant 224 : index
    %get3A_335 = tpu.vector_load %arg5[%get3A_334] {strides = array<i32>} : memref<256xi32, #tpu.memory_space<vmem>>, vector<16xi32>,
    %get3A_336 = vector.shape_cast %get3A_335 : vector<16xi32> to vector<16xi32>
    %shift_right_logical3A_337 = arith.constant 7 : i32
    %shift_right_logical3A_338 = vector.broadcast %shift_right_logical3A_337 : i32 to vector<16xi32>
    %shift_right_logical3A_339 = arith.shrui %get3A_336, %shift_right_logical3A_338 : vector<16xi32>
    %shift_left3A_340 = arith.constant 8 : i32
    %shift_left3A_341 = vector.broadcast %shift_left3A_340 : i32 to vector<16xi32>
    %shift_left3A_342 = arith.shli %shift_right_logical3A_339, %shift_left3A_341 : vector<16xi32>
    %and3A_343 = arith.constant 127 : i32
    %and3A_344 = vector.broadcast %and3A_343 : i32 to vector<16xi32>
    %and3A_345 = arith.andi %get3A_336, %and3A_344 : vector<16xi32>
    %add3A_346 = arith.addi %shift_left3A_342, %and3A_345 : vector<16xi32>
    %swap3A_347 = arith.constant 96 : index
    %swap3A_348 = tpu.vector_load %arg7[%swap3A_347] {strides = array<i32>} : memref<128xi32, #tpu.memory_space<vmem>>, vector<16xi32>,
    %swap3A_349 = vector.shape_cast %swap3A_348 : vector<16xi32> to vector<16xi32>
    %swap3A_350 = vector.shape_cast %add3A_346 : vector<16xi32> to vector<16xi32>
    tpu.vector_store %arg7[%swap3A_347], %swap3A_350 {strides = array<i32>} : memref<128xi32, #tpu.memory_space<vmem>>, vector<16xi32>,
    %add3A_351 = arith.constant 128 : i32
    %add3A_352 = vector.broadcast %add3A_351 : i32 to vector<16xi32>
    %add3A_353 = arith.addi %add3A_346, %add3A_352 : vector<16xi32>
    %swap3A_354 = arith.constant 96 : index
    %swap3A_355 = tpu.vector_load %arg9[%swap3A_354] {strides = array<i32>} : memref<128xi32, #tpu.memory_space<vmem>>, vector<16xi32>,
    %swap3A_356 = vector.shape_cast %swap3A_355 : vector<16xi32> to vector<16xi32>
    %swap3A_357 = vector.shape_cast %add3A_353 : vector<16xi32> to vector<16xi32>
    tpu.vector_store %arg9[%swap3A_354], %swap3A_357 {strides = array<i32>} : memref<128xi32, #tpu.memory_space<vmem>>, vector<16xi32>,
    %get3A_358 = arith.constant 240 : index
    %get3A_359 = tpu.vector_load %arg5[%get3A_358] {strides = array<i32>} : memref<256xi32, #tpu.memory_space<vmem>>, vector<16xi32>,
    %get3A_360 = vector.shape_cast %get3A_359 : vector<16xi32> to vector<16xi32>
    %shift_right_logical3A_361 = arith.constant 7 : i32
    %shift_right_logical3A_362 = vector.broadcast %shift_right_logical3A_361 : i32 to vector<16xi32>
    %shift_right_logical3A_363 = arith.shrui %get3A_360, %shift_right_logical3A_362 : vector<16xi32>
    %shift_left3A_364 = arith.constant 8 : i32
    %shift_left3A_365 = vector.broadcast %shift_left3A_364 : i32 to vector<16xi32>
    %shift_left3A_366 = arith.shli %shift_right_logical3A_363, %shift_left3A_365 : vector<16xi32>
    %and3A_367 = arith.constant 127 : i32
    %and3A_368 = vector.broadcast %and3A_367 : i32 to vector<16xi32>
    %and3A_369 = arith.andi %get3A_360, %and3A_368 : vector<16xi32>
    %add3A_370 = arith.addi %shift_left3A_366, %and3A_369 : vector<16xi32>
    %swap3A_371 = arith.constant 112 : index
    %swap3A_372 = tpu.vector_load %arg7[%swap3A_371] {strides = array<i32>} : memref<128xi32, #tpu.memory_space<vmem>>, vector<16xi32>,
    %swap3A_373 = vector.shape_cast %swap3A_372 : vector<16xi32> to vector<16xi32>
    %swap3A_374 = vector.shape_cast %add3A_370 : vector<16xi32> to vector<16xi32>
    tpu.vector_store %arg7[%swap3A_371], %swap3A_374 {strides = array<i32>} : memref<128xi32, #tpu.memory_space<vmem>>, vector<16xi32>,
    %add3A_375 = arith.constant 128 : i32
    %add3A_376 = vector.broadcast %add3A_375 : i32 to vector<16xi32>
    %add3A_377 = arith.addi %add3A_370, %add3A_376 : vector<16xi32>
    %swap3A_378 = arith.constant 112 : index
    %swap3A_379 = tpu.vector_load %arg9[%swap3A_378] {strides = array<i32>} : memref<128xi32, #tpu.memory_space<vmem>>, vector<16xi32>,
    %swap3A_380 = vector.shape_cast %swap3A_379 : vector<16xi32> to vector<16xi32>
    %swap3A_381 = vector.shape_cast %add3A_377 : vector<16xi32> to vector<16xi32>
    tpu.vector_store %arg9[%swap3A_378], %swap3A_381 {strides = array<i32>} : memref<128xi32, #tpu.memory_space<vmem>>, vector<16xi32>,
    %dma_start3A_382 = arith.constant 0 : i32
    %dma_start3A_383 = tpu.memref_slice %arg2[%dma_start3A_382] : memref<200192xf32, #tpu.memory_space<hbm>> -> memref<200192xf32, #tpu.memory_space<hbm>>
    tpu.enqueue_indirect_dma source(%dma_start3A_383 : memref<200192xf32, #tpu.memory_space<hbm>>) target(%arg11 : memref<128xf32, #tpu.memory_space<vmem>>) offsets(%arg7 : memref<128xi32, #tpu.memory_space<vmem>>) semaphore(%arg14 : memref<!tpu.dma_semaphore, #tpu.memory_space<semaphore_mem>>)
    %dma_start3A_384 = arith.constant 0 : i32
    %dma_start3A_385 = tpu.memref_slice %arg2[%dma_start3A_384] : memref<200192xf32, #tpu.memory_space<hbm>> -> memref<200192xf32, #tpu.memory_space<hbm>>
    tpu.enqueue_indirect_dma source(%dma_start3A_385 : memref<200192xf32, #tpu.memory_space<hbm>>) target(%arg13 : memref<128xf32, #tpu.memory_space<vmem>>) offsets(%arg9 : memref<128xi32, #tpu.memory_space<vmem>>) semaphore(%arg14 : memref<!tpu.dma_semaphore, #tpu.memory_space<semaphore_mem>>)
    %dma_wait3A = arith.constant 0 : i32
    %dma_wait3A_386 = tpu.memref_slice %arg2[%dma_wait3A] : memref<200192xf32, #tpu.memory_space<hbm>> -> memref<200192xf32, #tpu.memory_space<hbm>>
    tpu.wait_indirect_dma semaphore(%arg14 : memref<!tpu.dma_semaphore, #tpu.memory_space<semaphore_mem>>) src(%dma_wait3A_386 : memref<200192xf32, #tpu.memory_space<hbm>>) dst(%arg10 : memref<128xf32, #tpu.memory_space<vmem>>)
    %dma_wait3A_387 = arith.constant 0 : i32
    %dma_wait3A_388 = tpu.memref_slice %arg2[%dma_wait3A_387] : memref<200192xf32, #tpu.memory_space<hbm>> -> memref<200192xf32, #tpu.memory_space<hbm>>
    tpu.wait_indirect_dma semaphore(%arg14 : memref<!tpu.dma_semaphore, #tpu.memory_space<semaphore_mem>>) src(%dma_wait3A_388 : memref<200192xf32, #tpu.memory_space<hbm>>) dst(%arg12 : memref<128xf32, #tpu.memory_space<vmem>>)
    %get3A_389 = arith.constant 0 : index
    %get3A_390 = tpu.vector_load %arg10[%get3A_389] {strides = array<i32>} : memref<128xf32, #tpu.memory_space<vmem>>, vector<16xf32>,
    %get3A_391 = vector.shape_cast %get3A_390 : vector<16xf32> to vector<16xf32>
    %max3A = arith.constant -1.000000e+00 : f32
    %max3A_392 = vector.broadcast %max3A : f32 to vector<16xf32>
    %max3A_393 = arith.maximumf %get3A_391, %max3A_392 : vector<16xf32>
    %min3A = arith.constant 1.000000e+00 : f32
    %min3A_394 = vector.broadcast %min3A : f32 to vector<16xf32>
    %min3A_395 = arith.minimumf %max3A_393, %min3A_394 : vector<16xf32>
    %mul3A_396 = arith.constant 9.000000e+01 : f32
    %mul3A_397 = vector.broadcast %mul3A_396 : f32 to vector<16xf32>
    %mul3A_398 = arith.mulf %min3A_395, %mul3A_397 : vector<16xf32>
    %swap3A_399 = arith.constant 0 : index
    %swap3A_400 = tpu.vector_load %arg10[%swap3A_399] {strides = array<i32>} : memref<128xf32, #tpu.memory_space<vmem>>, vector<16xf32>,
    %swap3A_401 = vector.shape_cast %swap3A_400 : vector<16xf32> to vector<16xf32>
    %swap3A_402 = vector.shape_cast %mul3A_398 : vector<16xf32> to vector<16xf32>
    tpu.vector_store %arg10[%swap3A_399], %swap3A_402 {strides = array<i32>} : memref<128xf32, #tpu.memory_space<vmem>>, vector<16xf32>,
    %get3A_403 = arith.constant 0 : index
    %get3A_404 = tpu.vector_load %arg12[%get3A_403] {strides = array<i32>} : memref<128xf32, #tpu.memory_space<vmem>>, vector<16xf32>,
    %get3A_405 = vector.shape_cast %get3A_404 : vector<16xf32> to vector<16xf32>
    %max3A_406 = arith.constant -1.000000e+00 : f32
    %max3A_407 = vector.broadcast %max3A_406 : f32 to vector<16xf32>
    %max3A_408 = arith.maximumf %get3A_405, %max3A_407 : vector<16xf32>
    %min3A_409 = arith.constant 1.000000e+00 : f32
    %min3A_410 = vector.broadcast %min3A_409 : f32 to vector<16xf32>
    %min3A_411 = arith.minimumf %max3A_408, %min3A_410 : vector<16xf32>
    %mul3A_412 = arith.constant 1.800000e+02 : f32
    %mul3A_413 = vector.broadcast %mul3A_412 : f32 to vector<16xf32>
    %mul3A_414 = arith.mulf %min3A_411, %mul3A_413 : vector<16xf32>
    %swap3A_415 = arith.constant 0 : index
    %swap3A_416 = tpu.vector_load %arg12[%swap3A_415] {strides = array<i32>} : memref<128xf32, #tpu.memory_space<vmem>>, vector<16xf32>,
    %swap3A_417 = vector.shape_cast %swap3A_416 : vector<16xf32> to vector<16xf32>
    %swap3A_418 = vector.shape_cast %mul3A_414 : vector<16xf32> to vector<16xf32>
    tpu.vector_store %arg12[%swap3A_415], %swap3A_418 {strides = array<i32>} : memref<128xf32, #tpu.memory_space<vmem>>, vector<16xf32>,
    %get3A_419 = arith.constant 16 : index
    %get3A_420 = tpu.vector_load %arg10[%get3A_419] {strides = array<i32>} : memref<128xf32, #tpu.memory_space<vmem>>, vector<16xf32>,
    %get3A_421 = vector.shape_cast %get3A_420 : vector<16xf32> to vector<16xf32>
    %max3A_422 = arith.constant -1.000000e+00 : f32
    %max3A_423 = vector.broadcast %max3A_422 : f32 to vector<16xf32>
    %max3A_424 = arith.maximumf %get3A_421, %max3A_423 : vector<16xf32>
    %min3A_425 = arith.constant 1.000000e+00 : f32
    %min3A_426 = vector.broadcast %min3A_425 : f32 to vector<16xf32>
    %min3A_427 = arith.minimumf %max3A_424, %min3A_426 : vector<16xf32>
    %mul3A_428 = arith.constant 9.000000e+01 : f32
    %mul3A_429 = vector.broadcast %mul3A_428 : f32 to vector<16xf32>
    %mul3A_430 = arith.mulf %min3A_427, %mul3A_429 : vector<16xf32>
    %swap3A_431 = arith.constant 16 : index
    %swap3A_432 = tpu.vector_load %arg10[%swap3A_431] {strides = array<i32>} : memref<128xf32, #tpu.memory_space<vmem>>, vector<16xf32>,
    %swap3A_433 = vector.shape_cast %swap3A_432 : vector<16xf32> to vector<16xf32>
    %swap3A_434 = vector.shape_cast %mul3A_430 : vector<16xf32> to vector<16xf32>
    tpu.vector_store %arg10[%swap3A_431], %swap3A_434 {strides = array<i32>} : memref<128xf32, #tpu.memory_space<vmem>>, vector<16xf32>,
    %get3A_435 = arith.constant 16 : index
    %get3A_436 = tpu.vector_load %arg12[%get3A_435] {strides = array<i32>} : memref<128xf32, #tpu.memory_space<vmem>>, vector<16xf32>,
    %get3A_437 = vector.shape_cast %get3A_436 : vector<16xf32> to vector<16xf32>
    %max3A_438 = arith.constant -1.000000e+00 : f32
    %max3A_439 = vector.broadcast %max3A_438 : f32 to vector<16xf32>
    %max3A_440 = arith.maximumf %get3A_437, %max3A_439 : vector<16xf32>
    %min3A_441 = arith.constant 1.000000e+00 : f32
    %min3A_442 = vector.broadcast %min3A_441 : f32 to vector<16xf32>
    %min3A_443 = arith.minimumf %max3A_440, %min3A_442 : vector<16xf32>
    %mul3A_444 = arith.constant 1.800000e+02 : f32
    %mul3A_445 = vector.broadcast %mul3A_444 : f32 to vector<16xf32>
    %mul3A_446 = arith.mulf %min3A_443, %mul3A_445 : vector<16xf32>
    %swap3A_447 = arith.constant 16 : index
    %swap3A_448 = tpu.vector_load %arg12[%swap3A_447] {strides = array<i32>} : memref<128xf32, #tpu.memory_space<vmem>>, vector<16xf32>,
    %swap3A_449 = vector.shape_cast %swap3A_448 : vector<16xf32> to vector<16xf32>
    %swap3A_450 = vector.shape_cast %mul3A_446 : vector<16xf32> to vector<16xf32>
    tpu.vector_store %arg12[%swap3A_447], %swap3A_450 {strides = array<i32>} : memref<128xf32, #tpu.memory_space<vmem>>, vector<16xf32>,
    %get3A_451 = arith.constant 32 : index
    %get3A_452 = tpu.vector_load %arg10[%get3A_451] {strides = array<i32>} : memref<128xf32, #tpu.memory_space<vmem>>, vector<16xf32>,
    %get3A_453 = vector.shape_cast %get3A_452 : vector<16xf32> to vector<16xf32>
    %max3A_454 = arith.constant -1.000000e+00 : f32
    %max3A_455 = vector.broadcast %max3A_454 : f32 to vector<16xf32>
    %max3A_456 = arith.maximumf %get3A_453, %max3A_455 : vector<16xf32>
    %min3A_457 = arith.constant 1.000000e+00 : f32
    %min3A_458 = vector.broadcast %min3A_457 : f32 to vector<16xf32>
    %min3A_459 = arith.minimumf %max3A_456, %min3A_458 : vector<16xf32>
    %mul3A_460 = arith.constant 9.000000e+01 : f32
    %mul3A_461 = vector.broadcast %mul3A_460 : f32 to vector<16xf32>
    %mul3A_462 = arith.mulf %min3A_459, %mul3A_461 : vector<16xf32>
    %swap3A_463 = arith.constant 32 : index
    %swap3A_464 = tpu.vector_load %arg10[%swap3A_463] {strides = array<i32>} : memref<128xf32, #tpu.memory_space<vmem>>, vector<16xf32>,
    %swap3A_465 = vector.shape_cast %swap3A_464 : vector<16xf32> to vector<16xf32>
    %swap3A_466 = vector.shape_cast %mul3A_462 : vector<16xf32> to vector<16xf32>
    tpu.vector_store %arg10[%swap3A_463], %swap3A_466 {strides = array<i32>} : memref<128xf32, #tpu.memory_space<vmem>>, vector<16xf32>,
    %get3A_467 = arith.constant 32 : index
    %get3A_468 = tpu.vector_load %arg12[%get3A_467] {strides = array<i32>} : memref<128xf32, #tpu.memory_space<vmem>>, vector<16xf32>,
    %get3A_469 = vector.shape_cast %get3A_468 : vector<16xf32> to vector<16xf32>
    %max3A_470 = arith.constant -1.000000e+00 : f32
    %max3A_471 = vector.broadcast %max3A_470 : f32 to vector<16xf32>
    %max3A_472 = arith.maximumf %get3A_469, %max3A_471 : vector<16xf32>
    %min3A_473 = arith.constant 1.000000e+00 : f32
    %min3A_474 = vector.broadcast %min3A_473 : f32 to vector<16xf32>
    %min3A_475 = arith.minimumf %max3A_472, %min3A_474 : vector<16xf32>
    %mul3A_476 = arith.constant 1.800000e+02 : f32
    %mul3A_477 = vector.broadcast %mul3A_476 : f32 to vector<16xf32>
    %mul3A_478 = arith.mulf %min3A_475, %mul3A_477 : vector<16xf32>
    %swap3A_479 = arith.constant 32 : index
    %swap3A_480 = tpu.vector_load %arg12[%swap3A_479] {strides = array<i32>} : memref<128xf32, #tpu.memory_space<vmem>>, vector<16xf32>,
    %swap3A_481 = vector.shape_cast %swap3A_480 : vector<16xf32> to vector<16xf32>
    %swap3A_482 = vector.shape_cast %mul3A_478 : vector<16xf32> to vector<16xf32>
    tpu.vector_store %arg12[%swap3A_479], %swap3A_482 {strides = array<i32>} : memref<128xf32, #tpu.memory_space<vmem>>, vector<16xf32>,
    %get3A_483 = arith.constant 48 : index
    %get3A_484 = tpu.vector_load %arg10[%get3A_483] {strides = array<i32>} : memref<128xf32, #tpu.memory_space<vmem>>, vector<16xf32>,
    %get3A_485 = vector.shape_cast %get3A_484 : vector<16xf32> to vector<16xf32>
    %max3A_486 = arith.constant -1.000000e+00 : f32
    %max3A_487 = vector.broadcast %max3A_486 : f32 to vector<16xf32>
    %max3A_488 = arith.maximumf %get3A_485, %max3A_487 : vector<16xf32>
    %min3A_489 = arith.constant 1.000000e+00 : f32
    %min3A_490 = vector.broadcast %min3A_489 : f32 to vector<16xf32>
    %min3A_491 = arith.minimumf %max3A_488, %min3A_490 : vector<16xf32>
    %mul3A_492 = arith.constant 9.000000e+01 : f32
    %mul3A_493 = vector.broadcast %mul3A_492 : f32 to vector<16xf32>
    %mul3A_494 = arith.mulf %min3A_491, %mul3A_493 : vector<16xf32>
    %swap3A_495 = arith.constant 48 : index
    %swap3A_496 = tpu.vector_load %arg10[%swap3A_495] {strides = array<i32>} : memref<128xf32, #tpu.memory_space<vmem>>, vector<16xf32>,
    %swap3A_497 = vector.shape_cast %swap3A_496 : vector<16xf32> to vector<16xf32>
    %swap3A_498 = vector.shape_cast %mul3A_494 : vector<16xf32> to vector<16xf32>
    tpu.vector_store %arg10[%swap3A_495], %swap3A_498 {strides = array<i32>} : memref<128xf32, #tpu.memory_space<vmem>>, vector<16xf32>,
    %get3A_499 = arith.constant 48 : index
    %get3A_500 = tpu.vector_load %arg12[%get3A_499] {strides = array<i32>} : memref<128xf32, #tpu.memory_space<vmem>>, vector<16xf32>,
    %get3A_501 = vector.shape_cast %get3A_500 : vector<16xf32> to vector<16xf32>
    %max3A_502 = arith.constant -1.000000e+00 : f32
    %max3A_503 = vector.broadcast %max3A_502 : f32 to vector<16xf32>
    %max3A_504 = arith.maximumf %get3A_501, %max3A_503 : vector<16xf32>
    %min3A_505 = arith.constant 1.000000e+00 : f32
    %min3A_506 = vector.broadcast %min3A_505 : f32 to vector<16xf32>
    %min3A_507 = arith.minimumf %max3A_504, %min3A_506 : vector<16xf32>
    %mul3A_508 = arith.constant 1.800000e+02 : f32
    %mul3A_509 = vector.broadcast %mul3A_508 : f32 to vector<16xf32>
    %mul3A_510 = arith.mulf %min3A_507, %mul3A_509 : vector<16xf32>
    %swap3A_511 = arith.constant 48 : index
    %swap3A_512 = tpu.vector_load %arg12[%swap3A_511] {strides = array<i32>} : memref<128xf32, #tpu.memory_space<vmem>>, vector<16xf32>,
    %swap3A_513 = vector.shape_cast %swap3A_512 : vector<16xf32> to vector<16xf32>
    %swap3A_514 = vector.shape_cast %mul3A_510 : vector<16xf32> to vector<16xf32>
    tpu.vector_store %arg12[%swap3A_511], %swap3A_514 {strides = array<i32>} : memref<128xf32, #tpu.memory_space<vmem>>, vector<16xf32>,
    %get3A_515 = arith.constant 64 : index
    %get3A_516 = tpu.vector_load %arg10[%get3A_515] {strides = array<i32>} : memref<128xf32, #tpu.memory_space<vmem>>, vector<16xf32>,
    %get3A_517 = vector.shape_cast %get3A_516 : vector<16xf32> to vector<16xf32>
    %max3A_518 = arith.constant -1.000000e+00 : f32
    %max3A_519 = vector.broadcast %max3A_518 : f32 to vector<16xf32>
    %max3A_520 = arith.maximumf %get3A_517, %max3A_519 : vector<16xf32>
    %min3A_521 = arith.constant 1.000000e+00 : f32
    %min3A_522 = vector.broadcast %min3A_521 : f32 to vector<16xf32>
    %min3A_523 = arith.minimumf %max3A_520, %min3A_522 : vector<16xf32>
    %mul3A_524 = arith.constant 9.000000e+01 : f32
    %mul3A_525 = vector.broadcast %mul3A_524 : f32 to vector<16xf32>
    %mul3A_526 = arith.mulf %min3A_523, %mul3A_525 : vector<16xf32>
    %swap3A_527 = arith.constant 64 : index
    %swap3A_528 = tpu.vector_load %arg10[%swap3A_527] {strides = array<i32>} : memref<128xf32, #tpu.memory_space<vmem>>, vector<16xf32>,
    %swap3A_529 = vector.shape_cast %swap3A_528 : vector<16xf32> to vector<16xf32>
    %swap3A_530 = vector.shape_cast %mul3A_526 : vector<16xf32> to vector<16xf32>
    tpu.vector_store %arg10[%swap3A_527], %swap3A_530 {strides = array<i32>} : memref<128xf32, #tpu.memory_space<vmem>>, vector<16xf32>,
    %get3A_531 = arith.constant 64 : index
    %get3A_532 = tpu.vector_load %arg12[%get3A_531] {strides = array<i32>} : memref<128xf32, #tpu.memory_space<vmem>>, vector<16xf32>,
    %get3A_533 = vector.shape_cast %get3A_532 : vector<16xf32> to vector<16xf32>
    %max3A_534 = arith.constant -1.000000e+00 : f32
    %max3A_535 = vector.broadcast %max3A_534 : f32 to vector<16xf32>
    %max3A_536 = arith.maximumf %get3A_533, %max3A_535 : vector<16xf32>
    %min3A_537 = arith.constant 1.000000e+00 : f32
    %min3A_538 = vector.broadcast %min3A_537 : f32 to vector<16xf32>
    %min3A_539 = arith.minimumf %max3A_536, %min3A_538 : vector<16xf32>
    %mul3A_540 = arith.constant 1.800000e+02 : f32
    %mul3A_541 = vector.broadcast %mul3A_540 : f32 to vector<16xf32>
    %mul3A_542 = arith.mulf %min3A_539, %mul3A_541 : vector<16xf32>
    %swap3A_543 = arith.constant 64 : index
    %swap3A_544 = tpu.vector_load %arg12[%swap3A_543] {strides = array<i32>} : memref<128xf32, #tpu.memory_space<vmem>>, vector<16xf32>,
    %swap3A_545 = vector.shape_cast %swap3A_544 : vector<16xf32> to vector<16xf32>
    %swap3A_546 = vector.shape_cast %mul3A_542 : vector<16xf32> to vector<16xf32>
    tpu.vector_store %arg12[%swap3A_543], %swap3A_546 {strides = array<i32>} : memref<128xf32, #tpu.memory_space<vmem>>, vector<16xf32>,
    %get3A_547 = arith.constant 80 : index
    %get3A_548 = tpu.vector_load %arg10[%get3A_547] {strides = array<i32>} : memref<128xf32, #tpu.memory_space<vmem>>, vector<16xf32>,
    %get3A_549 = vector.shape_cast %get3A_548 : vector<16xf32> to vector<16xf32>
    %max3A_550 = arith.constant -1.000000e+00 : f32
    %max3A_551 = vector.broadcast %max3A_550 : f32 to vector<16xf32>
    %max3A_552 = arith.maximumf %get3A_549, %max3A_551 : vector<16xf32>
    %min3A_553 = arith.constant 1.000000e+00 : f32
    %min3A_554 = vector.broadcast %min3A_553 : f32 to vector<16xf32>
    %min3A_555 = arith.minimumf %max3A_552, %min3A_554 : vector<16xf32>
    %mul3A_556 = arith.constant 9.000000e+01 : f32
    %mul3A_557 = vector.broadcast %mul3A_556 : f32 to vector<16xf32>
    %mul3A_558 = arith.mulf %min3A_555, %mul3A_557 : vector<16xf32>
    %swap3A_559 = arith.constant 80 : index
    %swap3A_560 = tpu.vector_load %arg10[%swap3A_559] {strides = array<i32>} : memref<128xf32, #tpu.memory_space<vmem>>, vector<16xf32>,
    %swap3A_561 = vector.shape_cast %swap3A_560 : vector<16xf32> to vector<16xf32>
    %swap3A_562 = vector.shape_cast %mul3A_558 : vector<16xf32> to vector<16xf32>
    tpu.vector_store %arg10[%swap3A_559], %swap3A_562 {strides = array<i32>} : memref<128xf32, #tpu.memory_space<vmem>>, vector<16xf32>,
    %get3A_563 = arith.constant 80 : index
    %get3A_564 = tpu.vector_load %arg12[%get3A_563] {strides = array<i32>} : memref<128xf32, #tpu.memory_space<vmem>>, vector<16xf32>,
    %get3A_565 = vector.shape_cast %get3A_564 : vector<16xf32> to vector<16xf32>
    %max3A_566 = arith.constant -1.000000e+00 : f32
    %max3A_567 = vector.broadcast %max3A_566 : f32 to vector<16xf32>
    %max3A_568 = arith.maximumf %get3A_565, %max3A_567 : vector<16xf32>
    %min3A_569 = arith.constant 1.000000e+00 : f32
    %min3A_570 = vector.broadcast %min3A_569 : f32 to vector<16xf32>
    %min3A_571 = arith.minimumf %max3A_568, %min3A_570 : vector<16xf32>
    %mul3A_572 = arith.constant 1.800000e+02 : f32
    %mul3A_573 = vector.broadcast %mul3A_572 : f32 to vector<16xf32>
    %mul3A_574 = arith.mulf %min3A_571, %mul3A_573 : vector<16xf32>
    %swap3A_575 = arith.constant 80 : index
    %swap3A_576 = tpu.vector_load %arg12[%swap3A_575] {strides = array<i32>} : memref<128xf32, #tpu.memory_space<vmem>>, vector<16xf32>,
    %swap3A_577 = vector.shape_cast %swap3A_576 : vector<16xf32> to vector<16xf32>
    %swap3A_578 = vector.shape_cast %mul3A_574 : vector<16xf32> to vector<16xf32>
    tpu.vector_store %arg12[%swap3A_575], %swap3A_578 {strides = array<i32>} : memref<128xf32, #tpu.memory_space<vmem>>, vector<16xf32>,
    %get3A_579 = arith.constant 96 : index
    %get3A_580 = tpu.vector_load %arg10[%get3A_579] {strides = array<i32>} : memref<128xf32, #tpu.memory_space<vmem>>, vector<16xf32>,
    %get3A_581 = vector.shape_cast %get3A_580 : vector<16xf32> to vector<16xf32>
    %max3A_582 = arith.constant -1.000000e+00 : f32
    %max3A_583 = vector.broadcast %max3A_582 : f32 to vector<16xf32>
    %max3A_584 = arith.maximumf %get3A_581, %max3A_583 : vector<16xf32>
    %min3A_585 = arith.constant 1.000000e+00 : f32
    %min3A_586 = vector.broadcast %min3A_585 : f32 to vector<16xf32>
    %min3A_587 = arith.minimumf %max3A_584, %min3A_586 : vector<16xf32>
    %mul3A_588 = arith.constant 9.000000e+01 : f32
    %mul3A_589 = vector.broadcast %mul3A_588 : f32 to vector<16xf32>
    %mul3A_590 = arith.mulf %min3A_587, %mul3A_589 : vector<16xf32>
    %swap3A_591 = arith.constant 96 : index
    %swap3A_592 = tpu.vector_load %arg10[%swap3A_591] {strides = array<i32>} : memref<128xf32, #tpu.memory_space<vmem>>, vector<16xf32>,
    %swap3A_593 = vector.shape_cast %swap3A_592 : vector<16xf32> to vector<16xf32>
    %swap3A_594 = vector.shape_cast %mul3A_590 : vector<16xf32> to vector<16xf32>
    tpu.vector_store %arg10[%swap3A_591], %swap3A_594 {strides = array<i32>} : memref<128xf32, #tpu.memory_space<vmem>>, vector<16xf32>,
    %get3A_595 = arith.constant 96 : index
    %get3A_596 = tpu.vector_load %arg12[%get3A_595] {strides = array<i32>} : memref<128xf32, #tpu.memory_space<vmem>>, vector<16xf32>,
    %get3A_597 = vector.shape_cast %get3A_596 : vector<16xf32> to vector<16xf32>
    %max3A_598 = arith.constant -1.000000e+00 : f32
    %max3A_599 = vector.broadcast %max3A_598 : f32 to vector<16xf32>
    %max3A_600 = arith.maximumf %get3A_597, %max3A_599 : vector<16xf32>
    %min3A_601 = arith.constant 1.000000e+00 : f32
    %min3A_602 = vector.broadcast %min3A_601 : f32 to vector<16xf32>
    %min3A_603 = arith.minimumf %max3A_600, %min3A_602 : vector<16xf32>
    %mul3A_604 = arith.constant 1.800000e+02 : f32
    %mul3A_605 = vector.broadcast %mul3A_604 : f32 to vector<16xf32>
    %mul3A_606 = arith.mulf %min3A_603, %mul3A_605 : vector<16xf32>
    %swap3A_607 = arith.constant 96 : index
    %swap3A_608 = tpu.vector_load %arg12[%swap3A_607] {strides = array<i32>} : memref<128xf32, #tpu.memory_space<vmem>>, vector<16xf32>,
    %swap3A_609 = vector.shape_cast %swap3A_608 : vector<16xf32> to vector<16xf32>
    %swap3A_610 = vector.shape_cast %mul3A_606 : vector<16xf32> to vector<16xf32>
    tpu.vector_store %arg12[%swap3A_607], %swap3A_610 {strides = array<i32>} : memref<128xf32, #tpu.memory_space<vmem>>, vector<16xf32>,
    %get3A_611 = arith.constant 112 : index
    %get3A_612 = tpu.vector_load %arg10[%get3A_611] {strides = array<i32>} : memref<128xf32, #tpu.memory_space<vmem>>, vector<16xf32>,
    %get3A_613 = vector.shape_cast %get3A_612 : vector<16xf32> to vector<16xf32>
    %max3A_614 = arith.constant -1.000000e+00 : f32
    %max3A_615 = vector.broadcast %max3A_614 : f32 to vector<16xf32>
    %max3A_616 = arith.maximumf %get3A_613, %max3A_615 : vector<16xf32>
    %min3A_617 = arith.constant 1.000000e+00 : f32
    %min3A_618 = vector.broadcast %min3A_617 : f32 to vector<16xf32>
    %min3A_619 = arith.minimumf %max3A_616, %min3A_618 : vector<16xf32>
    %mul3A_620 = arith.constant 9.000000e+01 : f32
    %mul3A_621 = vector.broadcast %mul3A_620 : f32 to vector<16xf32>
    %mul3A_622 = arith.mulf %min3A_619, %mul3A_621 : vector<16xf32>
    %swap3A_623 = arith.constant 112 : index
    %swap3A_624 = tpu.vector_load %arg10[%swap3A_623] {strides = array<i32>} : memref<128xf32, #tpu.memory_space<vmem>>, vector<16xf32>,
    %swap3A_625 = vector.shape_cast %swap3A_624 : vector<16xf32> to vector<16xf32>
    %swap3A_626 = vector.shape_cast %mul3A_622 : vector<16xf32> to vector<16xf32>
    tpu.vector_store %arg10[%swap3A_623], %swap3A_626 {strides = array<i32>} : memref<128xf32, #tpu.memory_space<vmem>>, vector<16xf32>,
    %get3A_627 = arith.constant 112 : index
    %get3A_628 = tpu.vector_load %arg12[%get3A_627] {strides = array<i32>} : memref<128xf32, #tpu.memory_space<vmem>>, vector<16xf32>,
    %get3A_629 = vector.shape_cast %get3A_628 : vector<16xf32> to vector<16xf32>
    %max3A_630 = arith.constant -1.000000e+00 : f32
    %max3A_631 = vector.broadcast %max3A_630 : f32 to vector<16xf32>
    %max3A_632 = arith.maximumf %get3A_629, %max3A_631 : vector<16xf32>
    %min3A_633 = arith.constant 1.000000e+00 : f32
    %min3A_634 = vector.broadcast %min3A_633 : f32 to vector<16xf32>
    %min3A_635 = arith.minimumf %max3A_632, %min3A_634 : vector<16xf32>
    %mul3A_636 = arith.constant 1.800000e+02 : f32
    %mul3A_637 = vector.broadcast %mul3A_636 : f32 to vector<16xf32>
    %mul3A_638 = arith.mulf %min3A_635, %mul3A_637 : vector<16xf32>
    %swap3A_639 = arith.constant 112 : index
    %swap3A_640 = tpu.vector_load %arg12[%swap3A_639] {strides = array<i32>} : memref<128xf32, #tpu.memory_space<vmem>>, vector<16xf32>,
    %swap3A_641 = vector.shape_cast %swap3A_640 : vector<16xf32> to vector<16xf32>
    %swap3A_642 = vector.shape_cast %mul3A_638 : vector<16xf32> to vector<16xf32>
    tpu.vector_store %arg12[%swap3A_639], %swap3A_642 {strides = array<i32>} : memref<128xf32, #tpu.memory_space<vmem>>, vector<16xf32>,
    %add3A_643 = arith.constant 0 : i32
    %add3A_644 = arith.addi %mul3A_0, %add3A_643 : i32
    %mul3A_645 = arith.constant 2 : i32
    %mul3A_646 = arith.muli %add3A_644, %mul3A_645 : i32
    %dma_start3A_647 = tpu.memref_slice %arg4[%mul3A_646] : memref<8192xf32, #tpu.memory_space<hbm>> -> memref<128xf32, #tpu.memory_space<hbm>>
    %dma_start3A_648 = tpu.memref_slice %arg4[%mul3A_646] : memref<8192xf32, #tpu.memory_space<hbm>> -> memref<128xf32, #tpu.memory_space<hbm>>
    tpu.enqueue_dma source(%arg10 : memref<128xf32, #tpu.memory_space<vmem>>) target(%dma_start3A_648 : memref<128xf32, #tpu.memory_space<hbm>>) target_semaphore(%arg15 : memref<!tpu.dma_semaphore, #tpu.memory_space<semaphore_mem>>)
    %add3A_649 = arith.constant 128 : i32
    %add3A_650 = arith.addi %mul3A_646, %add3A_649 : i32
    %dma_start3A_651 = tpu.memref_slice %arg4[%add3A_650] : memref<8192xf32, #tpu.memory_space<hbm>> -> memref<128xf32, #tpu.memory_space<hbm>>
    %dma_start3A_652 = tpu.memref_slice %arg4[%add3A_650] : memref<8192xf32, #tpu.memory_space<hbm>> -> memref<128xf32, #tpu.memory_space<hbm>>
    tpu.enqueue_dma source(%arg12 : memref<128xf32, #tpu.memory_space<vmem>>) target(%dma_start3A_652 : memref<128xf32, #tpu.memory_space<hbm>>) target_semaphore(%arg15 : memref<!tpu.dma_semaphore, #tpu.memory_space<semaphore_mem>>)
    %dma_wait3A_653 = arith.constant 0 : i32
    %dma_wait3A_654 = tpu.memref_slice %arg2[%dma_wait3A_653] : memref<200192xf32, #tpu.memory_space<hbm>> -> memref<200192xf32, #tpu.memory_space<hbm>>
    tpu.wait_indirect_dma semaphore(%arg14 : memref<!tpu.dma_semaphore, #tpu.memory_space<semaphore_mem>>) src(%dma_wait3A_654 : memref<200192xf32, #tpu.memory_space<hbm>>) dst(%arg11 : memref<128xf32, #tpu.memory_space<vmem>>)
    %dma_wait3A_655 = arith.constant 0 : i32
    %dma_wait3A_656 = tpu.memref_slice %arg2[%dma_wait3A_655] : memref<200192xf32, #tpu.memory_space<hbm>> -> memref<200192xf32, #tpu.memory_space<hbm>>
    tpu.wait_indirect_dma semaphore(%arg14 : memref<!tpu.dma_semaphore, #tpu.memory_space<semaphore_mem>>) src(%dma_wait3A_656 : memref<200192xf32, #tpu.memory_space<hbm>>) dst(%arg13 : memref<128xf32, #tpu.memory_space<vmem>>)
    %get3A_657 = arith.constant 0 : index
    %get3A_658 = tpu.vector_load %arg11[%get3A_657] {strides = array<i32>} : memref<128xf32, #tpu.memory_space<vmem>>, vector<16xf32>,
    %get3A_659 = vector.shape_cast %get3A_658 : vector<16xf32> to vector<16xf32>
    %max3A_660 = arith.constant -1.000000e+00 : f32
    %max3A_661 = vector.broadcast %max3A_660 : f32 to vector<16xf32>
    %max3A_662 = arith.maximumf %get3A_659, %max3A_661 : vector<16xf32>
    %min3A_663 = arith.constant 1.000000e+00 : f32
    %min3A_664 = vector.broadcast %min3A_663 : f32 to vector<16xf32>
    %min3A_665 = arith.minimumf %max3A_662, %min3A_664 : vector<16xf32>
    %mul3A_666 = arith.constant 9.000000e+01 : f32
    %mul3A_667 = vector.broadcast %mul3A_666 : f32 to vector<16xf32>
    %mul3A_668 = arith.mulf %min3A_665, %mul3A_667 : vector<16xf32>
    %swap3A_669 = arith.constant 0 : index
    %swap3A_670 = tpu.vector_load %arg11[%swap3A_669] {strides = array<i32>} : memref<128xf32, #tpu.memory_space<vmem>>, vector<16xf32>,
    %swap3A_671 = vector.shape_cast %swap3A_670 : vector<16xf32> to vector<16xf32>
    %swap3A_672 = vector.shape_cast %mul3A_668 : vector<16xf32> to vector<16xf32>
    tpu.vector_store %arg11[%swap3A_669], %swap3A_672 {strides = array<i32>} : memref<128xf32, #tpu.memory_space<vmem>>, vector<16xf32>,
    %get3A_673 = arith.constant 0 : index
    %get3A_674 = tpu.vector_load %arg13[%get3A_673] {strides = array<i32>} : memref<128xf32, #tpu.memory_space<vmem>>, vector<16xf32>,
    %get3A_675 = vector.shape_cast %get3A_674 : vector<16xf32> to vector<16xf32>
    %max3A_676 = arith.constant -1.000000e+00 : f32
    %max3A_677 = vector.broadcast %max3A_676 : f32 to vector<16xf32>
    %max3A_678 = arith.maximumf %get3A_675, %max3A_677 : vector<16xf32>
    %min3A_679 = arith.constant 1.000000e+00 : f32
    %min3A_680 = vector.broadcast %min3A_679 : f32 to vector<16xf32>
    %min3A_681 = arith.minimumf %max3A_678, %min3A_680 : vector<16xf32>
    %mul3A_682 = arith.constant 1.800000e+02 : f32
    %mul3A_683 = vector.broadcast %mul3A_682 : f32 to vector<16xf32>
    %mul3A_684 = arith.mulf %min3A_681, %mul3A_683 : vector<16xf32>
    %swap3A_685 = arith.constant 0 : index
    %swap3A_686 = tpu.vector_load %arg13[%swap3A_685] {strides = array<i32>} : memref<128xf32, #tpu.memory_space<vmem>>, vector<16xf32>,
    %swap3A_687 = vector.shape_cast %swap3A_686 : vector<16xf32> to vector<16xf32>
    %swap3A_688 = vector.shape_cast %mul3A_684 : vector<16xf32> to vector<16xf32>
    tpu.vector_store %arg13[%swap3A_685], %swap3A_688 {strides = array<i32>} : memref<128xf32, #tpu.memory_space<vmem>>, vector<16xf32>,
    %get3A_689 = arith.constant 16 : index
    %get3A_690 = tpu.vector_load %arg11[%get3A_689] {strides = array<i32>} : memref<128xf32, #tpu.memory_space<vmem>>, vector<16xf32>,
    %get3A_691 = vector.shape_cast %get3A_690 : vector<16xf32> to vector<16xf32>
    %max3A_692 = arith.constant -1.000000e+00 : f32
    %max3A_693 = vector.broadcast %max3A_692 : f32 to vector<16xf32>
    %max3A_694 = arith.maximumf %get3A_691, %max3A_693 : vector<16xf32>
    %min3A_695 = arith.constant 1.000000e+00 : f32
    %min3A_696 = vector.broadcast %min3A_695 : f32 to vector<16xf32>
    %min3A_697 = arith.minimumf %max3A_694, %min3A_696 : vector<16xf32>
    %mul3A_698 = arith.constant 9.000000e+01 : f32
    %mul3A_699 = vector.broadcast %mul3A_698 : f32 to vector<16xf32>
    %mul3A_700 = arith.mulf %min3A_697, %mul3A_699 : vector<16xf32>
    %swap3A_701 = arith.constant 16 : index
    %swap3A_702 = tpu.vector_load %arg11[%swap3A_701] {strides = array<i32>} : memref<128xf32, #tpu.memory_space<vmem>>, vector<16xf32>,
    %swap3A_703 = vector.shape_cast %swap3A_702 : vector<16xf32> to vector<16xf32>
    %swap3A_704 = vector.shape_cast %mul3A_700 : vector<16xf32> to vector<16xf32>
    tpu.vector_store %arg11[%swap3A_701], %swap3A_704 {strides = array<i32>} : memref<128xf32, #tpu.memory_space<vmem>>, vector<16xf32>,
    %get3A_705 = arith.constant 16 : index
    %get3A_706 = tpu.vector_load %arg13[%get3A_705] {strides = array<i32>} : memref<128xf32, #tpu.memory_space<vmem>>, vector<16xf32>,
    %get3A_707 = vector.shape_cast %get3A_706 : vector<16xf32> to vector<16xf32>
    %max3A_708 = arith.constant -1.000000e+00 : f32
    %max3A_709 = vector.broadcast %max3A_708 : f32 to vector<16xf32>
    %max3A_710 = arith.maximumf %get3A_707, %max3A_709 : vector<16xf32>
    %min3A_711 = arith.constant 1.000000e+00 : f32
    %min3A_712 = vector.broadcast %min3A_711 : f32 to vector<16xf32>
    %min3A_713 = arith.minimumf %max3A_710, %min3A_712 : vector<16xf32>
    %mul3A_714 = arith.constant 1.800000e+02 : f32
    %mul3A_715 = vector.broadcast %mul3A_714 : f32 to vector<16xf32>
    %mul3A_716 = arith.mulf %min3A_713, %mul3A_715 : vector<16xf32>
    %swap3A_717 = arith.constant 16 : index
    %swap3A_718 = tpu.vector_load %arg13[%swap3A_717] {strides = array<i32>} : memref<128xf32, #tpu.memory_space<vmem>>, vector<16xf32>,
    %swap3A_719 = vector.shape_cast %swap3A_718 : vector<16xf32> to vector<16xf32>
    %swap3A_720 = vector.shape_cast %mul3A_716 : vector<16xf32> to vector<16xf32>
    tpu.vector_store %arg13[%swap3A_717], %swap3A_720 {strides = array<i32>} : memref<128xf32, #tpu.memory_space<vmem>>, vector<16xf32>,
    %get3A_721 = arith.constant 32 : index
    %get3A_722 = tpu.vector_load %arg11[%get3A_721] {strides = array<i32>} : memref<128xf32, #tpu.memory_space<vmem>>, vector<16xf32>,
    %get3A_723 = vector.shape_cast %get3A_722 : vector<16xf32> to vector<16xf32>
    %max3A_724 = arith.constant -1.000000e+00 : f32
    %max3A_725 = vector.broadcast %max3A_724 : f32 to vector<16xf32>
    %max3A_726 = arith.maximumf %get3A_723, %max3A_725 : vector<16xf32>
    %min3A_727 = arith.constant 1.000000e+00 : f32
    %min3A_728 = vector.broadcast %min3A_727 : f32 to vector<16xf32>
    %min3A_729 = arith.minimumf %max3A_726, %min3A_728 : vector<16xf32>
    %mul3A_730 = arith.constant 9.000000e+01 : f32
    %mul3A_731 = vector.broadcast %mul3A_730 : f32 to vector<16xf32>
    %mul3A_732 = arith.mulf %min3A_729, %mul3A_731 : vector<16xf32>
    %swap3A_733 = arith.constant 32 : index
    %swap3A_734 = tpu.vector_load %arg11[%swap3A_733] {strides = array<i32>} : memref<128xf32, #tpu.memory_space<vmem>>, vector<16xf32>,
    %swap3A_735 = vector.shape_cast %swap3A_734 : vector<16xf32> to vector<16xf32>
    %swap3A_736 = vector.shape_cast %mul3A_732 : vector<16xf32> to vector<16xf32>
    tpu.vector_store %arg11[%swap3A_733], %swap3A_736 {strides = array<i32>} : memref<128xf32, #tpu.memory_space<vmem>>, vector<16xf32>,
    %get3A_737 = arith.constant 32 : index
    %get3A_738 = tpu.vector_load %arg13[%get3A_737] {strides = array<i32>} : memref<128xf32, #tpu.memory_space<vmem>>, vector<16xf32>,
    %get3A_739 = vector.shape_cast %get3A_738 : vector<16xf32> to vector<16xf32>
    %max3A_740 = arith.constant -1.000000e+00 : f32
    %max3A_741 = vector.broadcast %max3A_740 : f32 to vector<16xf32>
    %max3A_742 = arith.maximumf %get3A_739, %max3A_741 : vector<16xf32>
    %min3A_743 = arith.constant 1.000000e+00 : f32
    %min3A_744 = vector.broadcast %min3A_743 : f32 to vector<16xf32>
    %min3A_745 = arith.minimumf %max3A_742, %min3A_744 : vector<16xf32>
    %mul3A_746 = arith.constant 1.800000e+02 : f32
    %mul3A_747 = vector.broadcast %mul3A_746 : f32 to vector<16xf32>
    %mul3A_748 = arith.mulf %min3A_745, %mul3A_747 : vector<16xf32>
    %swap3A_749 = arith.constant 32 : index
    %swap3A_750 = tpu.vector_load %arg13[%swap3A_749] {strides = array<i32>} : memref<128xf32, #tpu.memory_space<vmem>>, vector<16xf32>,
    %swap3A_751 = vector.shape_cast %swap3A_750 : vector<16xf32> to vector<16xf32>
    %swap3A_752 = vector.shape_cast %mul3A_748 : vector<16xf32> to vector<16xf32>
    tpu.vector_store %arg13[%swap3A_749], %swap3A_752 {strides = array<i32>} : memref<128xf32, #tpu.memory_space<vmem>>, vector<16xf32>,
    %get3A_753 = arith.constant 48 : index
    %get3A_754 = tpu.vector_load %arg11[%get3A_753] {strides = array<i32>} : memref<128xf32, #tpu.memory_space<vmem>>, vector<16xf32>,
    %get3A_755 = vector.shape_cast %get3A_754 : vector<16xf32> to vector<16xf32>
    %max3A_756 = arith.constant -1.000000e+00 : f32
    %max3A_757 = vector.broadcast %max3A_756 : f32 to vector<16xf32>
    %max3A_758 = arith.maximumf %get3A_755, %max3A_757 : vector<16xf32>
    %min3A_759 = arith.constant 1.000000e+00 : f32
    %min3A_760 = vector.broadcast %min3A_759 : f32 to vector<16xf32>
    %min3A_761 = arith.minimumf %max3A_758, %min3A_760 : vector<16xf32>
    %mul3A_762 = arith.constant 9.000000e+01 : f32
    %mul3A_763 = vector.broadcast %mul3A_762 : f32 to vector<16xf32>
    %mul3A_764 = arith.mulf %min3A_761, %mul3A_763 : vector<16xf32>
    %swap3A_765 = arith.constant 48 : index
    %swap3A_766 = tpu.vector_load %arg11[%swap3A_765] {strides = array<i32>} : memref<128xf32, #tpu.memory_space<vmem>>, vector<16xf32>,
    %swap3A_767 = vector.shape_cast %swap3A_766 : vector<16xf32> to vector<16xf32>
    %swap3A_768 = vector.shape_cast %mul3A_764 : vector<16xf32> to vector<16xf32>
    tpu.vector_store %arg11[%swap3A_765], %swap3A_768 {strides = array<i32>} : memref<128xf32, #tpu.memory_space<vmem>>, vector<16xf32>,
    %get3A_769 = arith.constant 48 : index
    %get3A_770 = tpu.vector_load %arg13[%get3A_769] {strides = array<i32>} : memref<128xf32, #tpu.memory_space<vmem>>, vector<16xf32>,
    %get3A_771 = vector.shape_cast %get3A_770 : vector<16xf32> to vector<16xf32>
    %max3A_772 = arith.constant -1.000000e+00 : f32
    %max3A_773 = vector.broadcast %max3A_772 : f32 to vector<16xf32>
    %max3A_774 = arith.maximumf %get3A_771, %max3A_773 : vector<16xf32>
    %min3A_775 = arith.constant 1.000000e+00 : f32
    %min3A_776 = vector.broadcast %min3A_775 : f32 to vector<16xf32>
    %min3A_777 = arith.minimumf %max3A_774, %min3A_776 : vector<16xf32>
    %mul3A_778 = arith.constant 1.800000e+02 : f32
    %mul3A_779 = vector.broadcast %mul3A_778 : f32 to vector<16xf32>
    %mul3A_780 = arith.mulf %min3A_777, %mul3A_779 : vector<16xf32>
    %swap3A_781 = arith.constant 48 : index
    %swap3A_782 = tpu.vector_load %arg13[%swap3A_781] {strides = array<i32>} : memref<128xf32, #tpu.memory_space<vmem>>, vector<16xf32>,
    %swap3A_783 = vector.shape_cast %swap3A_782 : vector<16xf32> to vector<16xf32>
    %swap3A_784 = vector.shape_cast %mul3A_780 : vector<16xf32> to vector<16xf32>
    tpu.vector_store %arg13[%swap3A_781], %swap3A_784 {strides = array<i32>} : memref<128xf32, #tpu.memory_space<vmem>>, vector<16xf32>,
    %get3A_785 = arith.constant 64 : index
    %get3A_786 = tpu.vector_load %arg11[%get3A_785] {strides = array<i32>} : memref<128xf32, #tpu.memory_space<vmem>>, vector<16xf32>,
    %get3A_787 = vector.shape_cast %get3A_786 : vector<16xf32> to vector<16xf32>
    %max3A_788 = arith.constant -1.000000e+00 : f32
    %max3A_789 = vector.broadcast %max3A_788 : f32 to vector<16xf32>
    %max3A_790 = arith.maximumf %get3A_787, %max3A_789 : vector<16xf32>
    %min3A_791 = arith.constant 1.000000e+00 : f32
    %min3A_792 = vector.broadcast %min3A_791 : f32 to vector<16xf32>
    %min3A_793 = arith.minimumf %max3A_790, %min3A_792 : vector<16xf32>
    %mul3A_794 = arith.constant 9.000000e+01 : f32
    %mul3A_795 = vector.broadcast %mul3A_794 : f32 to vector<16xf32>
    %mul3A_796 = arith.mulf %min3A_793, %mul3A_795 : vector<16xf32>
    %swap3A_797 = arith.constant 64 : index
    %swap3A_798 = tpu.vector_load %arg11[%swap3A_797] {strides = array<i32>} : memref<128xf32, #tpu.memory_space<vmem>>, vector<16xf32>,
    %swap3A_799 = vector.shape_cast %swap3A_798 : vector<16xf32> to vector<16xf32>
    %swap3A_800 = vector.shape_cast %mul3A_796 : vector<16xf32> to vector<16xf32>
    tpu.vector_store %arg11[%swap3A_797], %swap3A_800 {strides = array<i32>} : memref<128xf32, #tpu.memory_space<vmem>>, vector<16xf32>,
    %get3A_801 = arith.constant 64 : index
    %get3A_802 = tpu.vector_load %arg13[%get3A_801] {strides = array<i32>} : memref<128xf32, #tpu.memory_space<vmem>>, vector<16xf32>,
    %get3A_803 = vector.shape_cast %get3A_802 : vector<16xf32> to vector<16xf32>
    %max3A_804 = arith.constant -1.000000e+00 : f32
    %max3A_805 = vector.broadcast %max3A_804 : f32 to vector<16xf32>
    %max3A_806 = arith.maximumf %get3A_803, %max3A_805 : vector<16xf32>
    %min3A_807 = arith.constant 1.000000e+00 : f32
    %min3A_808 = vector.broadcast %min3A_807 : f32 to vector<16xf32>
    %min3A_809 = arith.minimumf %max3A_806, %min3A_808 : vector<16xf32>
    %mul3A_810 = arith.constant 1.800000e+02 : f32
    %mul3A_811 = vector.broadcast %mul3A_810 : f32 to vector<16xf32>
    %mul3A_812 = arith.mulf %min3A_809, %mul3A_811 : vector<16xf32>
    %swap3A_813 = arith.constant 64 : index
    %swap3A_814 = tpu.vector_load %arg13[%swap3A_813] {strides = array<i32>} : memref<128xf32, #tpu.memory_space<vmem>>, vector<16xf32>,
    %swap3A_815 = vector.shape_cast %swap3A_814 : vector<16xf32> to vector<16xf32>
    %swap3A_816 = vector.shape_cast %mul3A_812 : vector<16xf32> to vector<16xf32>
    tpu.vector_store %arg13[%swap3A_813], %swap3A_816 {strides = array<i32>} : memref<128xf32, #tpu.memory_space<vmem>>, vector<16xf32>,
    %get3A_817 = arith.constant 80 : index
    %get3A_818 = tpu.vector_load %arg11[%get3A_817] {strides = array<i32>} : memref<128xf32, #tpu.memory_space<vmem>>, vector<16xf32>,
    %get3A_819 = vector.shape_cast %get3A_818 : vector<16xf32> to vector<16xf32>
    %max3A_820 = arith.constant -1.000000e+00 : f32
    %max3A_821 = vector.broadcast %max3A_820 : f32 to vector<16xf32>
    %max3A_822 = arith.maximumf %get3A_819, %max3A_821 : vector<16xf32>
    %min3A_823 = arith.constant 1.000000e+00 : f32
    %min3A_824 = vector.broadcast %min3A_823 : f32 to vector<16xf32>
    %min3A_825 = arith.minimumf %max3A_822, %min3A_824 : vector<16xf32>
    %mul3A_826 = arith.constant 9.000000e+01 : f32
    %mul3A_827 = vector.broadcast %mul3A_826 : f32 to vector<16xf32>
    %mul3A_828 = arith.mulf %min3A_825, %mul3A_827 : vector<16xf32>
    %swap3A_829 = arith.constant 80 : index
    %swap3A_830 = tpu.vector_load %arg11[%swap3A_829] {strides = array<i32>} : memref<128xf32, #tpu.memory_space<vmem>>, vector<16xf32>,
    %swap3A_831 = vector.shape_cast %swap3A_830 : vector<16xf32> to vector<16xf32>
    %swap3A_832 = vector.shape_cast %mul3A_828 : vector<16xf32> to vector<16xf32>
    tpu.vector_store %arg11[%swap3A_829], %swap3A_832 {strides = array<i32>} : memref<128xf32, #tpu.memory_space<vmem>>, vector<16xf32>,
    %get3A_833 = arith.constant 80 : index
    %get3A_834 = tpu.vector_load %arg13[%get3A_833] {strides = array<i32>} : memref<128xf32, #tpu.memory_space<vmem>>, vector<16xf32>,
    %get3A_835 = vector.shape_cast %get3A_834 : vector<16xf32> to vector<16xf32>
    %max3A_836 = arith.constant -1.000000e+00 : f32
    %max3A_837 = vector.broadcast %max3A_836 : f32 to vector<16xf32>
    %max3A_838 = arith.maximumf %get3A_835, %max3A_837 : vector<16xf32>
    %min3A_839 = arith.constant 1.000000e+00 : f32
    %min3A_840 = vector.broadcast %min3A_839 : f32 to vector<16xf32>
    %min3A_841 = arith.minimumf %max3A_838, %min3A_840 : vector<16xf32>
    %mul3A_842 = arith.constant 1.800000e+02 : f32
    %mul3A_843 = vector.broadcast %mul3A_842 : f32 to vector<16xf32>
    %mul3A_844 = arith.mulf %min3A_841, %mul3A_843 : vector<16xf32>
    %swap3A_845 = arith.constant 80 : index
    %swap3A_846 = tpu.vector_load %arg13[%swap3A_845] {strides = array<i32>} : memref<128xf32, #tpu.memory_space<vmem>>, vector<16xf32>,
    %swap3A_847 = vector.shape_cast %swap3A_846 : vector<16xf32> to vector<16xf32>
    %swap3A_848 = vector.shape_cast %mul3A_844 : vector<16xf32> to vector<16xf32>
    tpu.vector_store %arg13[%swap3A_845], %swap3A_848 {strides = array<i32>} : memref<128xf32, #tpu.memory_space<vmem>>, vector<16xf32>,
    %get3A_849 = arith.constant 96 : index
    %get3A_850 = tpu.vector_load %arg11[%get3A_849] {strides = array<i32>} : memref<128xf32, #tpu.memory_space<vmem>>, vector<16xf32>,
    %get3A_851 = vector.shape_cast %get3A_850 : vector<16xf32> to vector<16xf32>
    %max3A_852 = arith.constant -1.000000e+00 : f32
    %max3A_853 = vector.broadcast %max3A_852 : f32 to vector<16xf32>
    %max3A_854 = arith.maximumf %get3A_851, %max3A_853 : vector<16xf32>
    %min3A_855 = arith.constant 1.000000e+00 : f32
    %min3A_856 = vector.broadcast %min3A_855 : f32 to vector<16xf32>
    %min3A_857 = arith.minimumf %max3A_854, %min3A_856 : vector<16xf32>
    %mul3A_858 = arith.constant 9.000000e+01 : f32
    %mul3A_859 = vector.broadcast %mul3A_858 : f32 to vector<16xf32>
    %mul3A_860 = arith.mulf %min3A_857, %mul3A_859 : vector<16xf32>
    %swap3A_861 = arith.constant 96 : index
    %swap3A_862 = tpu.vector_load %arg11[%swap3A_861] {strides = array<i32>} : memref<128xf32, #tpu.memory_space<vmem>>, vector<16xf32>,
    %swap3A_863 = vector.shape_cast %swap3A_862 : vector<16xf32> to vector<16xf32>
    %swap3A_864 = vector.shape_cast %mul3A_860 : vector<16xf32> to vector<16xf32>
    tpu.vector_store %arg11[%swap3A_861], %swap3A_864 {strides = array<i32>} : memref<128xf32, #tpu.memory_space<vmem>>, vector<16xf32>,
    %get3A_865 = arith.constant 96 : index
    %get3A_866 = tpu.vector_load %arg13[%get3A_865] {strides = array<i32>} : memref<128xf32, #tpu.memory_space<vmem>>, vector<16xf32>,
    %get3A_867 = vector.shape_cast %get3A_866 : vector<16xf32> to vector<16xf32>
    %max3A_868 = arith.constant -1.000000e+00 : f32
    %max3A_869 = vector.broadcast %max3A_868 : f32 to vector<16xf32>
    %max3A_870 = arith.maximumf %get3A_867, %max3A_869 : vector<16xf32>
    %min3A_871 = arith.constant 1.000000e+00 : f32
    %min3A_872 = vector.broadcast %min3A_871 : f32 to vector<16xf32>
    %min3A_873 = arith.minimumf %max3A_870, %min3A_872 : vector<16xf32>
    %mul3A_874 = arith.constant 1.800000e+02 : f32
    %mul3A_875 = vector.broadcast %mul3A_874 : f32 to vector<16xf32>
    %mul3A_876 = arith.mulf %min3A_873, %mul3A_875 : vector<16xf32>
    %swap3A_877 = arith.constant 96 : index
    %swap3A_878 = tpu.vector_load %arg13[%swap3A_877] {strides = array<i32>} : memref<128xf32, #tpu.memory_space<vmem>>, vector<16xf32>,
    %swap3A_879 = vector.shape_cast %swap3A_878 : vector<16xf32> to vector<16xf32>
    %swap3A_880 = vector.shape_cast %mul3A_876 : vector<16xf32> to vector<16xf32>
    tpu.vector_store %arg13[%swap3A_877], %swap3A_880 {strides = array<i32>} : memref<128xf32, #tpu.memory_space<vmem>>, vector<16xf32>,
    %get3A_881 = arith.constant 112 : index
    %get3A_882 = tpu.vector_load %arg11[%get3A_881] {strides = array<i32>} : memref<128xf32, #tpu.memory_space<vmem>>, vector<16xf32>,
    %get3A_883 = vector.shape_cast %get3A_882 : vector<16xf32> to vector<16xf32>
    %max3A_884 = arith.constant -1.000000e+00 : f32
    %max3A_885 = vector.broadcast %max3A_884 : f32 to vector<16xf32>
    %max3A_886 = arith.maximumf %get3A_883, %max3A_885 : vector<16xf32>
    %min3A_887 = arith.constant 1.000000e+00 : f32
    %min3A_888 = vector.broadcast %min3A_887 : f32 to vector<16xf32>
    %min3A_889 = arith.minimumf %max3A_886, %min3A_888 : vector<16xf32>
    %mul3A_890 = arith.constant 9.000000e+01 : f32
    %mul3A_891 = vector.broadcast %mul3A_890 : f32 to vector<16xf32>
    %mul3A_892 = arith.mulf %min3A_889, %mul3A_891 : vector<16xf32>
    %swap3A_893 = arith.constant 112 : index
    %swap3A_894 = tpu.vector_load %arg11[%swap3A_893] {strides = array<i32>} : memref<128xf32, #tpu.memory_space<vmem>>, vector<16xf32>,
    %swap3A_895 = vector.shape_cast %swap3A_894 : vector<16xf32> to vector<16xf32>
    %swap3A_896 = vector.shape_cast %mul3A_892 : vector<16xf32> to vector<16xf32>
    tpu.vector_store %arg11[%swap3A_893], %swap3A_896 {strides = array<i32>} : memref<128xf32, #tpu.memory_space<vmem>>, vector<16xf32>,
    %get3A_897 = arith.constant 112 : index
    %get3A_898 = tpu.vector_load %arg13[%get3A_897] {strides = array<i32>} : memref<128xf32, #tpu.memory_space<vmem>>, vector<16xf32>,
    %get3A_899 = vector.shape_cast %get3A_898 : vector<16xf32> to vector<16xf32>
    %max3A_900 = arith.constant -1.000000e+00 : f32
    %max3A_901 = vector.broadcast %max3A_900 : f32 to vector<16xf32>
    %max3A_902 = arith.maximumf %get3A_899, %max3A_901 : vector<16xf32>
    %min3A_903 = arith.constant 1.000000e+00 : f32
    %min3A_904 = vector.broadcast %min3A_903 : f32 to vector<16xf32>
    %min3A_905 = arith.minimumf %max3A_902, %min3A_904 : vector<16xf32>
    %mul3A_906 = arith.constant 1.800000e+02 : f32
    %mul3A_907 = vector.broadcast %mul3A_906 : f32 to vector<16xf32>
    %mul3A_908 = arith.mulf %min3A_905, %mul3A_907 : vector<16xf32>
    %swap3A_909 = arith.constant 112 : index
    %swap3A_910 = tpu.vector_load %arg13[%swap3A_909] {strides = array<i32>} : memref<128xf32, #tpu.memory_space<vmem>>, vector<16xf32>,
    %swap3A_911 = vector.shape_cast %swap3A_910 : vector<16xf32> to vector<16xf32>
    %swap3A_912 = vector.shape_cast %mul3A_908 : vector<16xf32> to vector<16xf32>
    tpu.vector_store %arg13[%swap3A_909], %swap3A_912 {strides = array<i32>} : memref<128xf32, #tpu.memory_space<vmem>>, vector<16xf32>,
    %add3A_913 = arith.constant 128 : i32
    %add3A_914 = arith.addi %mul3A_0, %add3A_913 : i32
    %mul3A_915 = arith.constant 2 : i32
    %mul3A_916 = arith.muli %add3A_914, %mul3A_915 : i32
    %dma_start3A_917 = tpu.memref_slice %arg4[%mul3A_916] : memref<8192xf32, #tpu.memory_space<hbm>> -> memref<128xf32, #tpu.memory_space<hbm>>
    %dma_start3A_918 = tpu.memref_slice %arg4[%mul3A_916] : memref<8192xf32, #tpu.memory_space<hbm>> -> memref<128xf32, #tpu.memory_space<hbm>>
    tpu.enqueue_dma source(%arg11 : memref<128xf32, #tpu.memory_space<vmem>>) target(%dma_start3A_918 : memref<128xf32, #tpu.memory_space<hbm>>) target_semaphore(%arg15 : memref<!tpu.dma_semaphore, #tpu.memory_space<semaphore_mem>>)
    %add3A_919 = arith.constant 128 : i32
    %add3A_920 = arith.addi %mul3A_916, %add3A_919 : i32
    %dma_start3A_921 = tpu.memref_slice %arg4[%add3A_920] : memref<8192xf32, #tpu.memory_space<hbm>> -> memref<128xf32, #tpu.memory_space<hbm>>
    %dma_start3A_922 = tpu.memref_slice %arg4[%add3A_920] : memref<8192xf32, #tpu.memory_space<hbm>> -> memref<128xf32, #tpu.memory_space<hbm>>
    tpu.enqueue_dma source(%arg13 : memref<128xf32, #tpu.memory_space<vmem>>) target(%dma_start3A_922 : memref<128xf32, #tpu.memory_space<hbm>>) target_semaphore(%arg15 : memref<!tpu.dma_semaphore, #tpu.memory_space<semaphore_mem>>)
    %dma_wait3A_923 = tpu.memref_slice %arg4[%mul3A_646] : memref<8192xf32, #tpu.memory_space<hbm>> -> memref<128xf32, #tpu.memory_space<hbm>>
    %dma_wait3A_924 = tpu.memref_slice %arg4[%mul3A_646] : memref<8192xf32, #tpu.memory_space<hbm>> -> memref<128xf32, #tpu.memory_space<hbm>>
    tpu.wait_dma2 semaphore(%arg15 : memref<!tpu.dma_semaphore, #tpu.memory_space<semaphore_mem>>) src(%arg10 : memref<128xf32, #tpu.memory_space<vmem>>) dst(%dma_wait3A_924 : memref<128xf32, #tpu.memory_space<hbm>>)
    %dma_wait3A_925 = tpu.memref_slice %arg4[%add3A_650] : memref<8192xf32, #tpu.memory_space<hbm>> -> memref<128xf32, #tpu.memory_space<hbm>>
    %dma_wait3A_926 = tpu.memref_slice %arg4[%add3A_650] : memref<8192xf32, #tpu.memory_space<hbm>> -> memref<128xf32, #tpu.memory_space<hbm>>
    tpu.wait_dma2 semaphore(%arg15 : memref<!tpu.dma_semaphore, #tpu.memory_space<semaphore_mem>>) src(%arg12 : memref<128xf32, #tpu.memory_space<vmem>>) dst(%dma_wait3A_926 : memref<128xf32, #tpu.memory_space<hbm>>)
    %dma_wait3A_927 = tpu.memref_slice %arg4[%mul3A_916] : memref<8192xf32, #tpu.memory_space<hbm>> -> memref<128xf32, #tpu.memory_space<hbm>>
    %dma_wait3A_928 = tpu.memref_slice %arg4[%mul3A_916] : memref<8192xf32, #tpu.memory_space<hbm>> -> memref<128xf32, #tpu.memory_space<hbm>>
    tpu.wait_dma2 semaphore(%arg15 : memref<!tpu.dma_semaphore, #tpu.memory_space<semaphore_mem>>) src(%arg11 : memref<128xf32, #tpu.memory_space<vmem>>) dst(%dma_wait3A_928 : memref<128xf32, #tpu.memory_space<hbm>>)
    %dma_wait3A_929 = tpu.memref_slice %arg4[%add3A_920] : memref<8192xf32, #tpu.memory_space<hbm>> -> memref<128xf32, #tpu.memory_space<hbm>>
    %dma_wait3A_930 = tpu.memref_slice %arg4[%add3A_920] : memref<8192xf32, #tpu.memory_space<hbm>> -> memref<128xf32, #tpu.memory_space<hbm>>
    tpu.wait_dma2 semaphore(%arg15 : memref<!tpu.dma_semaphore, #tpu.memory_space<semaphore_mem>>) src(%arg13 : memref<128xf32, #tpu.memory_space<vmem>>) dst(%dma_wait3A_930 : memref<128xf32, #tpu.memory_space<hbm>>)
    return
  }
}

</mosaic_0001>

<sc_bundles>
// kernel: _gather_gps.3.cloned.1.call-start
scs
__scs_entry_jumppad:
0x0: {  	(pc) =	sbr.rel $0x88, $3  }
0x1: {  	(tag) =	ssettag $0x0;
	lr =	simm.s32 $0x1  }
0x2: {  	[smem:$0x3F9F] =	sst lr;
	_ =	strace $0xD0000000  }
0x3: {  	_ = 	snop  }
0x4: {  	_ = 	snop  }
0x5: {  	_ = 	snop  }
0x6: {  	_ = 	snop  }
0x7: {  	_ = 	snop  }
__scs_overlays_trampoline_lowered:
0x8: {  	[smem:$0x3FAE] =	sst s0  }
0x9: {  	[smem:$0x3FAF] =	sst s1  }
0xa: {  	[smem:$0x3FB0] =	sst s2  }
0xb: {  	[smem:$0x3FB1] =	sst s3  }
0xc: {  	[smem:$0x3FB2] =	sst s4  }
0xd: {  	[smem:$0x3FB3] =	sst s5  }
0xe: {  	[smem:$0x3FB4] =	sst s6  }
0xf: {  	[smem:$0x3FB5] =	sst s7  }
0x10: {  	[smem:$0x3FB6] =	sst s8  }
0x11: {  	[smem:$0x3FB7] =	sst s9;
	s0 =	simm.s32 @!p0 $0x0  }
0x12: {  	s1 =	sld [smem:$0x3F9D];
	s0 =	simm.s32 @p0 $0x1  }
0x13: {  	[smem:$0x3FB8] =	sst s0;
	s0 =	simm.s32 @!p1 $0x0  }
0x14: {  	s2 =	sld [smem:$0x3F9C];
	s0 =	simm.s32 @p1 $0x1  }
0x15: {  	[smem:$0x3FB9] =	sst s0;
	s0 =	simm.s32 @!p2 $0x0  }
0x16: {  	s3 =	sld [smem:$0x3FDB];
	s0 =	simm.s32 @p2 $0x1  }
0x17: {  	s4 =	simm.s32 $0x1BF5;
	[smem:$0x3FBB] =	sst s0  }
0x18: {  	s0 =	sld [smem:$0x3F9E];
	_ =	swait.ge [sflag:s4], $0x0  }
0x19: {  	s7 =	sld [smem:$0x3F9F]  }
0x1a: {  	s8 =	sadd.s32 $0xFFFFE003, lr  }
0x1b: {  	s9 =	sadd.s32 $0xFFFFFEF7, lr;
	s5 =	simm.s32 $0xFFFFFFFF;
	p2 =	slt.u32 s8, $0xFFFFF086  }
0x1c: {  	p1 =	slt.u32 s9, $0xF7A;
	s5 =	simm.s32 @!p2 $0x0  }
0x1d: {  	s5 =	simm.s32 @p1 $0x1;
	p0 =	seq.s32 s7, s2  }
0x1e: {  	s7 =	smul.u32 @!p0 $0xF7A, s2;
	p2 =	seq.s32 @!p0 s5, $0x0  }
0x1f: {  	s9 =	smul.u32 $0xF7A, s1;
	s8 =	simm.s32 @!p0 $0x1BF5;
	p2 =	por !p2, p0  }
0x20: {  	[sflag:s8] =	ssyncset.s32 @!p0 $0xFFFFF086;
	s6 =	sadd.s32 @!p0 s3, s7;
	s7 =	simm.s32 @!p0 $0x108  }
0x21: {  	s3 =	sadd.s32 s3, s9;
	s6 =	sadd.s32 @!p0 $0x88, s6;
	s7 =	simm.s32 @p2 $0x1082  }
0x22: {  	[simem:s7], [sflag:s8] =	dma.local @!p0 [hbm:s6], $0xF7A  }
0x23: {  	s9 =	sor.u32 $0xD0000000, s2;
	s6 =	simm.s32 $0x108;
	_ =	swait.ge @!p0 [sflag:s8], $0x0  }
0x24: {  	s3 =	sadd.s32 $0x88, s3;
	s6 =	simm.s32 @!p1 $0x1082;
	[sflag:s4] =	ssyncset.s32 $0xFFFFF086  }
0x25: {  	[simem:s6], [sflag:s4] =	dma.local [hbm:s3], $0xF7A  }
0x26: {  	[smem:$0x3F9F] =	sst s1;
	(tag) =	ssettag s2;
	_ =	strace s9  }
0x27: {  	s1 =	sld [smem:$0x3FAF]  }
0x28: {  	s2 =	sld [smem:$0x3FB0]  }
0x29: {  	s4 =	sld [smem:$0x3FB2]  }
0x2a: {  	p0 =	seq.s32 s5, $0x0;
	s5 =	sld [smem:$0x3FB3]  }
0x2b: {  	s6 =	sld [smem:$0x3FB4]  }
0x2c: {  	s7 =	sld [smem:$0x3FB5]  }
0x2d: {  	s3 =	simm.s32 $0x108;
	s8 =	sld [smem:$0x3FB6]  }
0x2e: {  	s3 =	simm.s32 @!p0 $0x1082;
	s9 =	sld [smem:$0x3FB7]  }
0x2f: {  	lr =	sadd.s32 s0, s3;
	s0 =	sld [smem:$0x3FAE]  }
0x30: {  	s3 =	sld [smem:$0x3FB1]  }
0x31: {  	[smem:$0x3FBA] =	sst s10  }
0x32: {  	s10 =	sld [smem:$0x3FB8];
	_ =	sdelay $0x3  }
0x33: {  	p0 =	seq.s32 s10, $0x1;
	s10 =	sld [smem:$0x3FBA];
	_ =	sdelay $0x3  }
0x34: {  	[smem:$0x3FBA] =	sst s10  }
0x35: {  	s10 =	sld [smem:$0x3FB9];
	_ =	sdelay $0x3  }
0x36: {  	p1 =	seq.s32 s10, $0x1;
	s10 =	sld [smem:$0x3FBA];
	_ =	sdelay $0x3  }
0x37: {  	[smem:$0x3FBA] =	sst s10  }
0x38: {  	s10 =	sld [smem:$0x3FBB]  }
0x39: {  	_ = 	snop;
	(pc) =	sbr.ind lr, $3  }
0x3a: {  	_ = 	snop  }
0x3b: {  	_ = 	snop  }
0x3c: {  	p2 =	seq.s32 s10, $0x1;
	s10 =	sld [smem:$0x3FBA]  }
0x3d: {  	_ =	shalt  }
0x3e: {  	_ =	shalt  }
0x3f: {  	_ =	shalt  }
0x40: {  	_ =	shalt  }
0x41: {  	_ =	shalt  }
0x42: {  	_ =	shalt  }
0x43: {  	_ =	shalt  }
0x44: {  	_ =	shalt  }
0x45: {  	_ =	shalt  }
0x46: {  	_ =	shalt  }
0x47: {  	_ =	shalt  }
0x48: {  	_ =	shalt  }
0x49: {  	_ =	shalt  }
0x4a: {  	_ =	shalt  }
0x4b: {  	_ =	shalt  }
0x4c: {  	_ =	shalt  }
0x4d: {  	_ =	shalt  }
0x4e: {  	_ =	shalt  }
0x4f: {  	_ =	shalt  }
0x50: {  	_ =	shalt  }
0x51: {  	_ =	shalt  }
0x52: {  	_ =	shalt  }
0x53: {  	_ =	shalt  }
0x54: {  	_ =	shalt  }
0x55: {  	_ =	shalt  }
0x56: {  	_ =	shalt  }
0x57: {  	_ =	shalt  }
0x58: {  	_ =	shalt  }
0x59: {  	_ =	shalt  }
0x5a: {  	_ =	shalt  }
0x5b: {  	_ =	shalt  }
0x5c: {  	_ =	shalt  }
0x5d: {  	_ =	shalt  }
0x5e: {  	_ =	shalt  }
0x5f: {  	_ =	shalt  }
0x60: {  	_ =	shalt  }
0x61: {  	_ =	shalt  }
0x62: {  	_ =	shalt  }
0x63: {  	_ =	shalt  }
0x64: {  	_ =	shalt  }
0x65: {  	_ =	shalt  }
0x66: {  	_ =	shalt  }
0x67: {  	_ =	shalt  }
0x68: {  	_ =	shalt  }
0x69: {  	_ =	shalt  }
0x6a: {  	_ =	shalt  }
0x6b: {  	_ =	shalt  }
0x6c: {  	_ =	shalt  }
0x6d: {  	_ =	shalt  }
0x6e: {  	_ =	shalt  }
0x6f: {  	_ =	shalt  }
0x70: {  	_ =	shalt  }
0x71: {  	_ =	shalt  }
0x72: {  	_ =	shalt  }
0x73: {  	_ =	shalt  }
0x74: {  	_ =	shalt  }
0x75: {  	_ =	shalt  }
0x76: {  	_ =	shalt  }
0x77: {  	_ =	shalt  }
0x78: {  	_ =	shalt  }
0x79: {  	_ =	shalt  }
0x7a: {  	_ =	shalt  }
0x7b: {  	_ =	shalt  }
0x7c: {  	_ =	shalt  }
0x7d: {  	_ =	shalt  }
0x7e: {  	_ =	shalt  }
0x7f: {  	_ =	shalt  }
0x80: {  	_ =	shalt  }
0x81: {  	_ =	shalt  }
0x82: {  	_ =	shalt  }
0x83: {  	_ =	shalt  }
0x84: {  	_ =	shalt  }
0x85: {  	_ =	shalt  }
0x86: {  	_ =	shalt  }
0x87: {  	_ =	shalt  }
.Lfunc_end0:
.L_simem_size_0:
called_computation_lowered:
.L_overlay_start_0:
0x88: {  	s0 =	sld [smem:$0x3FD9]  }
0x89: {  	s1 =	sld [smem:$0x3FFE];
	_ =	sdelay $0x3  }
0x8a: {  	s0 =	sadd.s32 s1, s0  }
0x8b: {  	[smem:$0x3FC6] =	sst s0  }
0x8c: {  	_ = 	snop  }
0x8d: {  	s0 =	sld [smem:$0x3FC9]  }
0x8e: {  	s17 =	sld [smem:$0x3FC8]  }
0x8f: {  	s2 =	sld [smem:$0x3FD0];
	(tm) =	ssettm $0x1  }
0x90: {  	s3 =	sld [smem:$0x3FFB];
	_ =	sdelay $0x3  }
0x91: {  	_ =	strace s3  }
0x92: {  	s3 =	sld [smem:$0x3FFC];
	_ =	sdelay $0x3  }
0x93: {  	_ =	strace s3  }
0x94: {  	s3 =	sld [smem:$0x3FFD];
	_ =	sdelay $0x3  }
0x95: {  	_ =	strace s3  }
0x96: {  	_ =	strace $0x8FFFFFFF  }
0x97: {  	s18 =	sld [smem:$0x3FDB];
	_ =	sdelay $0x1  }
0x98: {  	s4 =	simm.s32 $_scs_section_size  }
0x99: {  	s5 =	simm.s32 $_size__tile_overlayer_lowered;
	s6 =	simm.s32 $_tile_overlayer_lowered  }
0x9a: {  	s21 =	simm.s32 $0x1BFF;
	s20 =	sshll.u32 s6, $0x1;
	s3 =	sadd.s32 s4, s18  }
0x9b: {  	s7 =	simm.s32 $0x0;
	s19 =	sshll.u32 s5, $0x1;
	s5 =	sadd.s32 s20, s3  }
0x9c: {  	[timem:s7], [sflag:s21] =	dma.local [hbm:s5], s19  }
0x9d: {  	_ =	swait.ge [sflag:s21], s19  }
0x9e: {  	s4 =	ssub.s32 $0x0, s19;
	[sflag:s21] =	ssyncset.done $0x0  }
0x9f: {  	[sflag:s21] =	ssyncadd.s32 s4;
	_ =	sdelay $0x1  }
0xa0: {  	s22 =	simm.s32 $0x1B8B  }
0xa1: {  	_ =	swait.ge [sflag:s22], $0x1  }
0xa2: {  	[sflag:s22] =	ssyncset.done $0x0  }
0xa3: {  	s23 =	simm.s32 $0x1B8E;
	[sflag:s22] =	ssyncadd.s32 $0xFFFFFFFF  }
0xa4: {  	s24 =	simm.s32 $execute0_lowered;
	[smem:$0x3FD2] =	sst s23  }
0xa5: {  	s4 =	sshll.u32 s24, $0x1;
	_ =	strace $0x80000046;
	[dreg:$0x1] =	wrdreg $0xFFFFFFFF  }
0xa6: {  	s25 =	simm.s32 $_size_execute0_lowered;
	s3 =	sadd.s32 s3, s4;
	[dreg:$0x0] =	wrdreg $0x0  }
0xa7: {  	s4 =	sshll.u32 s25, $0x1;
	[dreg:$0x2] =	wrdreg s3  }
0xa8: {  	[dreg:$0x3] =	wrdreg s4  }
0xa9: {  	[dreg:$0x4] =	wrdreg $0xC0  }
0xaa: {  	_ =	task [dreg:s7], $0x5FFFF  }
0xab: {  	[dreg:$0x1] =	wrdreg $0xFFFFFFFF  }
0xac: {  	[dreg:$0x0] =	wrdreg $0x60  }
0xad: {  	[dreg:$0x2] =	wrdreg s0  }
0xae: {  	[dreg:$0x3] =	wrdreg s17  }
0xaf: {  	[dreg:$0x4] =	wrdreg s2  }
0xb0: {  	[dreg:$0x5] =	wrdreg $0x9  }
0xb1: {  	_ =	task.clear_ibuf [dreg:s7], $0x6FFFF;
	_ =	strace $0x90000046  }
0xb2: {  	s26 =	simm.s32 $0x9;
	_ =	strace $0x80000048  }
0xb3: {  	_ =	swait.ge [sflag:s26], $0x1  }
0xb4: {  	[sflag:s26] =	ssyncadd.s32 $0xFFFFFFFF  }
0xb5: {  	_ =	strace $0x90000048  }
0xb6: {  	_ =	sfence  }
0xb7: {  	s28 =	sld [smem:$0x0];
	_ =	sdelay $0x1  }
0xb8: {  	s29 =	srdreg.scid  }
0xb9: {  	s30 =	sshll.u32 s29, $0xD;
	s31 =	sshrl.u32 s29, $0x2  }
0xba: {  	s1 =	sand.u32 $0x1, s29;
	s2 =	sand.u32 $0x4000, s30;
	s0 =	sadd.s32 s31, s28  }
0xbb: {  	s1 =	sor.u32 s2, s1;
	s0 =	sshll.u32 s0, $0x11  }
0xbc: {  	s0 =	sor.u32 s0, s1  }
0xbd: {  	s0 =	sadd.s32 $0x8F2B, s0  }
0xbe: {  	[sflag:s0] =	ssyncadd.remote.s32 $0x1  }
0xbf: {  	_ =	sfence.sel $0xFFFF  }
0xc0: {  	[dreg:$0x0] =	wrdreg $0xFFFFFFFF;
	(pc) =	sbr.abs _section_cstart, $3  }
0xc1: {  	[dreg:$0x1] =	wrdreg $0xFFFFFFFF  }
0xc2: {  	_ =	task.clear_ibuf [dreg:s7], $0x2FFFF;
	_ =	strace $0x9FFFFFFF  }
0xc3: {  	(tm) =	ssettm $0x7FFFFFFF  }
tec
execute0_lowered:
.L_overlay_start_1:
0x0: {  	(tag) =	ssettag $0x1  }
0x1: {  	s8 =	rddreg [dreg:$0x0]  }
0x2: {  	s4 =	rddreg [dreg:$0x1]  }
0x3: {  	s3 =	rddreg [dreg:$0x2]  }
0x4: {  	s0 =	rddreg [dreg:$0x3];
	s2 =	simm.s32 $0x0;
	s1 =	stileid.u32  }
0x5: {  	[smem:$0x7FF] =	sst s2;
	s5 =	sshll.u32 s1, $0x5  }
0x6: {  	s20 =	simm.s32 $0x3;
	_ =	strace $0x80000047;
	s4 =	sadd.s32 s4, s5  }
0x7: {  	[tilespmem:s2], [sflag:$0x3] =	stream.linear.gather [hbm4b:s4+s2], $0x100, $0x38;
	[tilespmem:$0x500] =	vst v63  }
0x8: {  	_ =	swait.ge [sflag:s20], $0x100  }
0x9: {  	[sflag:s20] =	ssyncset.done $0x0  }
0xa: {  	[sflag:s20] =	ssyncadd.s32 $0xFFFFFF00  }
0xb: {  	v0 =	vld [tilespmem:$0x0];
	_ =	sdelay $0x1  }
0xc: {  	v1 =	vld [tilespmem:$0x10];
	_ =	sdelay $0x1  }
0xd: {  	v2 =	vld [tilespmem:$0x20]  }
0xe: {  	v3 =	vshll.u32 v0, $0x1  }
0xf: {  	v4 =	vld [tilespmem:$0x30];
	v0 =	vand.u32 $0x7F, v0;
	v3 =	vand.u32 $0xFFFFFF00, v3  }
0x10: {  	v23 =	vshll.u32 v1, $0x1;
	v0 =	vor.u32 v0, v3  }
0x11: {  	v5 =	vld [tilespmem:$0x40];
	v1 =	vand.u32 $0x7F, v1;
	v3 =	vand.u32 $0xFFFFFF00, v23;
	[tilespmem:$0x100] =	vst v0;
	v0 =	vor.u32 $0x80, v0  }
0x12: {  	v25 =	vshll.u32 v2, $0x1;
	v24 =	vor.u32 v1, v3;
	[tilespmem:$0x200] =	vst v0  }
0x13: {  	v26 =	vld [tilespmem:$0x50];
	v2 =	vand.u32 $0x7F, v2;
	v1 =	vand.u32 $0xFFFFFF00, v25;
	[tilespmem:$0x110] =	vst v24;
	v0 =	vor.u32 $0x80, v24  }
0x14: {  	v28 =	vshll.u32 v4, $0x1;
	v27 =	vor.u32 v2, v1;
	[tilespmem:$0x210] =	vst v0  }
0x15: {  	v30 =	vld [tilespmem:$0x60];
	v29 =	vand.u32 $0x7F, v4;
	v1 =	vand.u32 $0xFFFFFF00, v28;
	[tilespmem:$0x120] =	vst v27;
	v0 =	vor.u32 $0x80, v27  }
0x16: {  	v32 =	vshll.u32 v5, $0x1;
	v31 =	vor.u32 v29, v1;
	[tilespmem:$0x220] =	vst v0  }
0x17: {  	v34 =	vld [tilespmem:$0x70];
	v33 =	vand.u32 $0x7F, v5;
	v1 =	vand.u32 $0xFFFFFF00, v32;
	[tilespmem:$0x130] =	vst v31;
	v0 =	vor.u32 $0x80, v31  }
0x18: {  	v36 =	vshll.u32 v26, $0x1;
	v35 =	vor.u32 v33, v1;
	[tilespmem:$0x230] =	vst v0  }
0x19: {  	v37 =	vand.u32 $0x7F, v26;
	v1 =	vand.u32 $0xFFFFFF00, v36;
	[tilespmem:$0x140] =	vst v35;
	v0 =	vor.u32 $0x80, v35  }
0x1a: {  	v39 =	vshll.u32 v30, $0x1;
	v38 =	vor.u32 v37, v1;
	[tilespmem:$0x240] =	vst v0  }
0x1b: {  	v40 =	vand.u32 $0x7F, v30;
	v1 =	vand.u32 $0xFFFFFF00, v39;
	[tilespmem:$0x150] =	vst v38;
	v0 =	vor.u32 $0x80, v38  }
0x1c: {  	v42 =	vshll.u32 v34, $0x1;
	v41 =	vor.u32 v40, v1;
	[tilespmem:$0x250] =	vst v0  }
0x1d: {  	v43 =	vand.u32 $0x7F, v34;
	v1 =	vand.u32 $0xFFFFFF00, v42;
	[tilespmem:$0x160] =	vst v41;
	v0 =	vor.u32 $0x80, v41  }
0x1e: {  	v44 =	vor.u32 v43, v1;
	[tilespmem:$0x260] =	vst v0  }
0x1f: {  	[tilespmem:$0x170] =	vst v44;
	v0 =	vor.u32 $0x80, v44  }
0x20: {  	s9 =	simm.s32 $0x80;
	s21 =	simm.s32 $0x100;
	s6 =	simm.s32 $0x300;
	[tilespmem:$0x270] =	vst v0  }
0x21: {  	[tilespmem:s6], [sflag:$0x1] =	stream.indirect.gather [hbm4b:s8+s9], $0x1, s21, s9, $0xb8;
	[tilespmem:$0x500] =	vst v63  }
0x22: {  	s22 =	simm.s32 $0x200;
	s7 =	simm.s32 $0x400  }
0x23: {  	[tilespmem:s7], [sflag:$0x1] =	stream.indirect.gather [hbm4b:s8+s9], $0x1, s22, s9, $0xb8;
	[tilespmem:$0x500] =	vst v63  }
0x24: {  	v45 =	vld [tilespmem:$0x80];
	_ =	sdelay $0x1  }
0x25: {  	v46 =	vld [tilespmem:$0x90];
	_ =	sdelay $0x1  }
0x26: {  	v47 =	vld [tilespmem:$0xA0]  }
0x27: {  	v48 =	vshll.u32 v45, $0x1  }
0x28: {  	v49 =	vld [tilespmem:$0xB0];
	v0 =	vand.u32 $0x7F, v45;
	v3 =	vand.u32 $0xFFFFFF00, v48  }
0x29: {  	v50 =	vshll.u32 v46, $0x1;
	v0 =	vor.u32 v0, v3  }
0x2a: {  	v51 =	vld [tilespmem:$0xC0];
	v1 =	vand.u32 $0x7F, v46;
	v3 =	vand.u32 $0xFFFFFF00, v50;
	[tilespmem:$0x180] =	vst v0;
	v0 =	vor.u32 $0x80, v0  }
0x2b: {  	v53 =	vshll.u32 v47, $0x1;
	v52 =	vor.u32 v1, v3;
	[tilespmem:$0x280] =	vst v0  }
0x2c: {  	v54 =	vld [tilespmem:$0xD0];
	v2 =	vand.u32 $0x7F, v47;
	v1 =	vand.u32 $0xFFFFFF00, v53;
	[tilespmem:$0x190] =	vst v52;
	v0 =	vor.u32 $0x80, v52  }
0x2d: {  	v56 =	vshll.u32 v49, $0x1;
	v55 =	vor.u32 v2, v1;
	[tilespmem:$0x290] =	vst v0  }
0x2e: {  	v58 =	vld [tilespmem:$0xE0];
	v57 =	vand.u32 $0x7F, v49;
	v1 =	vand.u32 $0xFFFFFF00, v56;
	[tilespmem:$0x1A0] =	vst v55;
	v0 =	vor.u32 $0x80, v55  }
0x2f: {  	v60 =	vshll.u32 v51, $0x1;
	v59 =	vor.u32 v57, v1;
	[tilespmem:$0x2A0] =	vst v0  }
0x30: {  	v62 =	vld [tilespmem:$0xF0];
	v61 =	vand.u32 $0x7F, v51;
	v1 =	vand.u32 $0xFFFFFF00, v60;
	[tilespmem:$0x1B0] =	vst v59;
	v0 =	vor.u32 $0x80, v59  }
0x31: {  	v6 =	vshll.u32 v54, $0x1;
	v63 =	vor.u32 v61, v1;
	[tilespmem:$0x2B0] =	vst v0  }
0x32: {  	v7 =	vand.u32 $0x7F, v54;
	v1 =	vand.u32 $0xFFFFFF00, v6;
	[tilespmem:$0x1C0] =	vst v63;
	v0 =	vor.u32 $0x80, v63  }
0x33: {  	v9 =	vshll.u32 v58, $0x1;
	v8 =	vor.u32 v7, v1;
	[tilespmem:$0x2C0] =	vst v0  }
0x34: {  	v10 =	vand.u32 $0x7F, v58;
	v1 =	vand.u32 $0xFFFFFF00, v9;
	[tilespmem:$0x1D0] =	vst v8;
	v0 =	vor.u32 $0x80, v8  }
0x35: {  	v12 =	vshll.u32 v62, $0x1;
	v11 =	vor.u32 v10, v1;
	[tilespmem:$0x2D0] =	vst v0  }
0x36: {  	v13 =	vand.u32 $0x7F, v62;
	v1 =	vand.u32 $0xFFFFFF00, v12;
	[tilespmem:$0x1E0] =	vst v11;
	v0 =	vor.u32 $0x80, v11  }
0x37: {  	v14 =	vor.u32 v13, v1;
	[tilespmem:$0x2E0] =	vst v0  }
0x38: {  	[tilespmem:$0x1F0] =	vst v14;
	v0 =	vor.u32 $0x80, v14  }
0x39: {  	s23 =	simm.s32 $0x180;
	s24 =	simm.s32 $0x380;
	[tilespmem:$0x2F0] =	vst v0  }
0x3a: {  	[tilespmem:s24], [sflag:$0x1] =	stream.indirect.gather [hbm4b:s8+s9], $0x1, s23, s9, $0xb8;
	[tilespmem:$0x500] =	vst v63  }
0x3b: {  	s10 =	simm.s32 $0x280;
	s25 =	simm.s32 $0x480;
	s26 =	simm.s32 $0x1  }
0x3c: {  	[tilespmem:s25], [sflag:$0x1] =	stream.indirect.gather [hbm4b:s8+s9], $0x1, s10, s9, $0xb8;
	[tilespmem:$0x500] =	vst v63  }
0x3d: {  	_ =	swait.ge [sflag:s26], $0x80  }
0x3e: {  	[sflag:s26] =	ssyncset.done $0x0  }
0x3f: {  	[sflag:s26] =	ssyncadd.s32 $0xFFFFFF80  }
0x40: {  	_ =	swait.ge [sflag:s26], $0x80  }
0x41: {  	[sflag:s26] =	ssyncset.done $0x0  }
0x42: {  	[sflag:s26] =	ssyncadd.s32 $0xFFFFFF80  }
0x43: {  	v15 =	vld [tilespmem:$0x300]  }
0x44: {  	v16 =	vld [tilespmem:$0x400]  }
0x45: {  	v17 =	vld [tilespmem:$0x310]  }
0x46: {  	v18 =	vld [tilespmem:$0x410]  }
0x47: {  	v19 =	vld [tilespmem:$0x320]  }
0x48: {  	v20 =	vld [tilespmem:$0x420];
	v0 =	vmax.f32 v15, $-1.000000000e+00  }
0x49: {  	v6 =	vld [tilespmem:$0x330];
	v1 =	vmax.f32 v16, $-1.000000000e+00;
	v0 =	vmin.f32 v0, $1.000000000e+00  }
0x4a: {  	v7 =	vld [tilespmem:$0x430];
	v2 =	vmax.f32 v17, $-1.000000000e+00;
	v1 =	vmin.f32 v1, $1.000000000e+00;
	v0 =	vmul.f32 $9.000000000e+01, v0  }
0x4b: {  	v8 =	vld [tilespmem:$0x340];
	v3 =	vmax.f32 v18, $-1.000000000e+00;
	v2 =	vmin.f32 v2, $1.000000000e+00;
	v1 =	vmul.f32 $1.800000000e+02, v1  }
0x4c: {  	v24 =	vld [tilespmem:$0x440];
	v23 =	vmax.f32 v19, $-1.000000000e+00;
	v22 =	vmin.f32 v3, $1.000000000e+00;
	v21 =	vmul.f32 $9.000000000e+01, v2;
	[tilespmem:$0x300] =	vst v0  }
0x4d: {  	v28 =	vld [tilespmem:$0x350];
	v27 =	vmax.f32 v20, $-1.000000000e+00;
	v26 =	vmin.f32 v23, $1.000000000e+00;
	v25 =	vmul.f32 $1.800000000e+02, v22;
	[tilespmem:$0x400] =	vst v1  }
0x4e: {  	v32 =	vld [tilespmem:$0x450];
	v31 =	vmax.f32 v6, $-1.000000000e+00;
	v30 =	vmin.f32 v27, $1.000000000e+00;
	v29 =	vmul.f32 $9.000000000e+01, v26;
	[tilespmem:$0x310] =	vst v21  }
0x4f: {  	v36 =	vld [tilespmem:$0x360];
	v35 =	vmax.f32 v7, $-1.000000000e+00;
	v34 =	vmin.f32 v31, $1.000000000e+00;
	v33 =	vmul.f32 $1.800000000e+02, v30;
	[tilespmem:$0x410] =	vst v25  }
0x50: {  	v40 =	vld [tilespmem:$0x460];
	v39 =	vmax.f32 v8, $-1.000000000e+00;
	v38 =	vmin.f32 v35, $1.000000000e+00;
	v37 =	vmul.f32 $9.000000000e+01, v34;
	[tilespmem:$0x320] =	vst v29  }
0x51: {  	v44 =	vld [tilespmem:$0x370];
	v43 =	vmax.f32 v24, $-1.000000000e+00;
	v42 =	vmin.f32 v39, $1.000000000e+00;
	v41 =	vmul.f32 $1.800000000e+02, v38;
	[tilespmem:$0x420] =	vst v33  }
0x52: {  	v48 =	vld [tilespmem:$0x470];
	v47 =	vmax.f32 v28, $-1.000000000e+00;
	v46 =	vmin.f32 v43, $1.000000000e+00;
	v45 =	vmul.f32 $9.000000000e+01, v42;
	[tilespmem:$0x330] =	vst v37  }
0x53: {  	v51 =	vmax.f32 v32, $-1.000000000e+00;
	v50 =	vmin.f32 v47, $1.000000000e+00;
	v49 =	vmul.f32 $1.800000000e+02, v46;
	[tilespmem:$0x430] =	vst v41  }
0x54: {  	v54 =	vmax.f32 v36, $-1.000000000e+00;
	v53 =	vmin.f32 v51, $1.000000000e+00;
	v52 =	vmul.f32 $9.000000000e+01, v50;
	[tilespmem:$0x340] =	vst v45  }
0x55: {  	v57 =	vmax.f32 v40, $-1.000000000e+00;
	v56 =	vmin.f32 v54, $1.000000000e+00;
	v55 =	vmul.f32 $1.800000000e+02, v53;
	[tilespmem:$0x440] =	vst v49  }
0x56: {  	v60 =	vmax.f32 v44, $-1.000000000e+00;
	v59 =	vmin.f32 v57, $1.000000000e+00;
	v58 =	vmul.f32 $9.000000000e+01, v56;
	[tilespmem:$0x350] =	vst v52  }
0x57: {  	v63 =	vmax.f32 v48, $-1.000000000e+00;
	v62 =	vmin.f32 v60, $1.000000000e+00;
	v61 =	vmul.f32 $1.800000000e+02, v59;
	[tilespmem:$0x450] =	vst v55  }
0x58: {  	v7 =	vmin.f32 v63, $1.000000000e+00;
	v6 =	vmul.f32 $9.000000000e+01, v62;
	[tilespmem:$0x360] =	vst v58  }
0x59: {  	v8 =	vmul.f32 $1.800000000e+02, v7;
	[tilespmem:$0x460] =	vst v61  }
0x5a: {  	s28 =	sshll.u32 s1, $0x6;
	[tilespmem:$0x370] =	vst v6  }
0x5b: {  	s3 =	sadd.s32 s3, s28;
	[tilespmem:$0x470] =	vst v8  }
0x5c: {  	[hbm4b:s3+s2] =	stream.linear.scatter [tilespmem:s6], [sflag:$0x2], $0x80, $0x38;
	[tilespmem:$0x500] =	vst v63  }
0x5d: {  	s29 =	sadd.s32 $0x10, s3  }
0x5e: {  	[hbm4b:s29+s2] =	stream.linear.scatter [tilespmem:s7], [sflag:$0x2], $0x80, $0x38;
	[tilespmem:$0x500] =	vst v63  }
0x5f: {  	_ =	swait.ge [sflag:s26], $0x80  }
0x60: {  	[sflag:s26] =	ssyncset.done $0x0  }
0x61: {  	[sflag:s26] =	ssyncadd.s32 $0xFFFFFF80  }
0x62: {  	_ =	swait.ge [sflag:s26], $0x80  }
0x63: {  	[sflag:s26] =	ssyncset.done $0x0  }
0x64: {  	[sflag:s26] =	ssyncadd.s32 $0xFFFFFF80  }
0x65: {  	v9 =	vld [tilespmem:$0x380]  }
0x66: {  	v10 =	vld [tilespmem:$0x480]  }
0x67: {  	v11 =	vld [tilespmem:$0x390]  }
0x68: {  	v12 =	vld [tilespmem:$0x490]  }
0x69: {  	v13 =	vld [tilespmem:$0x3A0]  }
0x6a: {  	v14 =	vld [tilespmem:$0x4A0];
	v0 =	vmax.f32 v9, $-1.000000000e+00  }
0x6b: {  	v15 =	vld [tilespmem:$0x3B0];
	v1 =	vmax.f32 v10, $-1.000000000e+00;
	v0 =	vmin.f32 v0, $1.000000000e+00  }
0x6c: {  	v16 =	vld [tilespmem:$0x4B0];
	v2 =	vmax.f32 v11, $-1.000000000e+00;
	v1 =	vmin.f32 v1, $1.000000000e+00;
	v0 =	vmul.f32 $9.000000000e+01, v0  }
0x6d: {  	v17 =	vld [tilespmem:$0x3C0];
	v3 =	vmax.f32 v12, $-1.000000000e+00;
	v2 =	vmin.f32 v2, $1.000000000e+00;
	v1 =	vmul.f32 $1.800000000e+02, v1  }
0x6e: {  	v21 =	vld [tilespmem:$0x4C0];
	v20 =	vmax.f32 v13, $-1.000000000e+00;
	v19 =	vmin.f32 v3, $1.000000000e+00;
	v18 =	vmul.f32 $9.000000000e+01, v2;
	[tilespmem:$0x380] =	vst v0  }
0x6f: {  	v25 =	vld [tilespmem:$0x3D0];
	v24 =	vmax.f32 v14, $-1.000000000e+00;
	v23 =	vmin.f32 v20, $1.000000000e+00;
	v22 =	vmul.f32 $1.800000000e+02, v19;
	[tilespmem:$0x480] =	vst v1  }
0x70: {  	v29 =	vld [tilespmem:$0x4D0];
	v28 =	vmax.f32 v15, $-1.000000000e+00;
	v27 =	vmin.f32 v24, $1.000000000e+00;
	v26 =	vmul.f32 $9.000000000e+01, v23;
	[tilespmem:$0x390] =	vst v18  }
0x71: {  	v33 =	vld [tilespmem:$0x3E0];
	v32 =	vmax.f32 v16, $-1.000000000e+00;
	v31 =	vmin.f32 v28, $1.000000000e+00;
	v30 =	vmul.f32 $1.800000000e+02, v27;
	[tilespmem:$0x490] =	vst v22  }
0x72: {  	v37 =	vld [tilespmem:$0x4E0];
	v36 =	vmax.f32 v17, $-1.000000000e+00;
	v35 =	vmin.f32 v32, $1.000000000e+00;
	v34 =	vmul.f32 $9.000000000e+01, v31;
	[tilespmem:$0x3A0] =	vst v26  }
0x73: {  	v41 =	vld [tilespmem:$0x3F0];
	v40 =	vmax.f32 v21, $-1.000000000e+00;
	v39 =	vmin.f32 v36, $1.000000000e+00;
	v38 =	vmul.f32 $1.800000000e+02, v35;
	[tilespmem:$0x4A0] =	vst v30  }
0x74: {  	v45 =	vld [tilespmem:$0x4F0];
	v44 =	vmax.f32 v25, $-1.000000000e+00;
	v43 =	vmin.f32 v40, $1.000000000e+00;
	v42 =	vmul.f32 $9.000000000e+01, v39;
	[tilespmem:$0x3B0] =	vst v34  }
0x75: {  	v48 =	vmax.f32 v29, $-1.000000000e+00;
	v47 =	vmin.f32 v44, $1.000000000e+00;
	v46 =	vmul.f32 $1.800000000e+02, v43;
	[tilespmem:$0x4B0] =	vst v38  }
0x76: {  	v51 =	vmax.f32 v33, $-1.000000000e+00;
	v50 =	vmin.f32 v48, $1.000000000e+00;
	v49 =	vmul.f32 $9.000000000e+01, v47;
	[tilespmem:$0x3C0] =	vst v42  }
0x77: {  	v54 =	vmax.f32 v37, $-1.000000000e+00;
	v53 =	vmin.f32 v51, $1.000000000e+00;
	v52 =	vmul.f32 $1.800000000e+02, v50;
	[tilespmem:$0x4C0] =	vst v46  }
0x78: {  	v57 =	vmax.f32 v41, $-1.000000000e+00;
	v56 =	vmin.f32 v54, $1.000000000e+00;
	v55 =	vmul.f32 $9.000000000e+01, v53;
	[tilespmem:$0x3D0] =	vst v49  }
0x79: {  	v60 =	vmax.f32 v45, $-1.000000000e+00;
	v59 =	vmin.f32 v57, $1.000000000e+00;
	v58 =	vmul.f32 $1.800000000e+02, v56;
	[tilespmem:$0x4D0] =	vst v52  }
0x7a: {  	v62 =	vmin.f32 v60, $1.000000000e+00;
	v61 =	vmul.f32 $9.000000000e+01, v59;
	[tilespmem:$0x3E0] =	vst v55  }
0x7b: {  	v63 =	vmul.f32 $1.800000000e+02, v62;
	[tilespmem:$0x4E0] =	vst v58  }
0x7c: {  	[tilespmem:$0x3F0] =	vst v61  }
0x7d: {  	s30 =	sadd.s32 $0x20, s3;
	[tilespmem:$0x4F0] =	vst v63  }
0x7e: {  	[hbm4b:s30+s2] =	stream.linear.scatter [tilespmem:s24], [sflag:$0x2], $0x80, $0x38;
	[tilespmem:$0x500] =	vst v63  }
0x7f: {  	s31 =	simm.s32 $0x2;
	s3 =	sadd.s32 $0x30, s3  }
0x80: {  	[hbm4b:s3+s2] =	stream.linear.scatter [tilespmem:s25], [sflag:$0x2], $0x80, $0x38;
	[tilespmem:$0x500] =	vst v63  }
0x81: {  	_ =	swait.ge [sflag:s31], $0x80  }
0x82: {  	[sflag:s31] =	ssyncset.done $0x0  }
0x83: {  	[sflag:s31] =	ssyncadd.s32 $0xFFFFFF80  }
0x84: {  	_ =	swait.ge [sflag:s31], $0x80  }
0x85: {  	[sflag:s31] =	ssyncset.done $0x0  }
0x86: {  	[sflag:s31] =	ssyncadd.s32 $0xFFFFFF80  }
0x87: {  	_ =	swait.ge [sflag:s31], $0x80  }
0x88: {  	[sflag:s31] =	ssyncset.done $0x0  }
0x89: {  	[sflag:s31] =	ssyncadd.s32 $0xFFFFFF80  }
0x8a: {  	_ =	swait.ge [sflag:s31], $0x80  }
0x8b: {  	[sflag:s31] =	ssyncset.done $0x0  }
0x8c: {  	[sflag:s31] =	ssyncadd.s32 $0xFFFFFF80  }
0x8d: {  	_ =	sfence.sel $0x180000  }
0x8e: {  	[bflag:$0x0] =	sbarrier.arrive $0xFFFF  }
0x8f: {  	p0 =	sne.s32 s1, $0x0;
	_ =	strace $0x90000047  }
0x90: {  	s0 =	sadd.s32 @!p0 $0x100000, s0;
	[bflag:$0x2] =	sbarrier.arrive $0xFFFF  }
0x91: {  	[sflag:s0] =	ssyncadd.tile.s32 @!p0 $0x1;
	_ =	shalt  }
.Lfunc_end2:
_tile_overlayer_lowered:
.L_overlay_start_2:
0x92: {  	(tag) =	ssettag $0x2  }
0x93: {  	s0 =	rddreg [dreg:$0x0];
	s2 =	stileid.u32  }
0x94: {  	s1 =	rddreg [dreg:$0x1];
	p0 =	sne.s32 s2, $0x0  }
0x95: {  	s3 =	rddreg [dreg:$0x2];
	[bflag:$0x3] =	sbarrier.arrive $0xFFFF;
	s2 =	simm.s32 @!p0 $0x1C03  }
0x96: {  	[timem:s3], [sflag:s2] =	dma.local @!p0 [hbm:s0], s1  }
0x97: {  	s0 =	simm.s32 @!p0 $0x3  }
0x98: {  	_ =	swait.ge @!p0 [sflag:s0], s1  }
0x99: {  	s1 =	ssub.s32 @!p0 $0x0, s1;
	[sflag:s0] =	ssyncset.done @!p0 $0x0  }
0x9a: {  	[sflag:s0] =	ssyncadd.s32 @!p0 s1  }
0x9b: {  	[bflag:$0x3] =	sbarrier.arrive $0xFFFF  }
0x9c: {  	_ =	shalt  }

</sc_bundles>
